<compile_context>
chip_gen: v7x
topology: tpu7x:2x2x1
jax: 0.10.2.dev20260603
libtpu: 0.0.44.dev20260713+nightly
codegen_flags: <defaults>
</compile_context>

<pallas_src>
import jax
import jax.numpy as jnp
from jax import lax
from jax.experimental import pallas as pl
from jax.experimental.pallas import tpu as pltpu
from jax.experimental.pallas import tpu_sc as plsc

N = 10000
DIN = 256
DH = 128
E = 160000
NSUB = 16
NCORE = 2
CHUNK = 128
NCHUNK = 79
NQUAD = NCHUNK // 4
EPAD = NSUB * NCHUNK * CHUNK
NPAD = 10112
RPS = NPAD // NSUB
SEED_LAST = N - 15 * RPS
CW = 16


def _sc_body(x0b, x1b, srcs, dsts, zc, ones_h, agg_out, cnt_out,
             agg_sh, cnt_sh, src_v, dst_v, g0, g1, g2, g3, ones_v,
             sg0, sg1, sg2, sg3, ss0, ss1, ss2, ss3):
    c = lax.axis_index("c")
    s = lax.axis_index("s")
    rows = pl.ds(s * RPS, RPS)
    gbs = (g0, g1, g2, g3)
    sgs = (sg0, sg1, sg2, sg3)
    sss = (ss0, ss1, ss2, ss3)

    pltpu.sync_copy(srcs.at[s], src_v)
    pltpu.sync_copy(dsts.at[s], dst_v)
    pltpu.sync_copy(zc.at[rows], cnt_sh.at[rows])
    pltpu.sync_copy(ones_h, ones_v)

    def seed(table):
        @pl.when(s < NSUB - 1)
        def _():
            pltpu.sync_copy(table.at[rows], agg_sh.at[rows])

        @pl.when(s == NSUB - 1)
        def _():
            last = pl.ds((NSUB - 1) * RPS, SEED_LAST)
            pltpu.sync_copy(table.at[last], agg_sh.at[last])

    @pl.when(c == 0)
    def _():
        seed(x0b)

    @pl.when(c == 1)
    def _():
        seed(x1b)

    plsc.subcore_barrier()

    def run(table, count_parity):
        def fire_gather(j, u):
            pltpu.async_copy(table.at[src_v.at[j]], gbs[u], sgs[u])

        def drain_gather(u):
            pltpu.make_async_copy(table.at[src_v.at[0]], gbs[u],
                                  sgs[u]).wait()

        def fire_scatter(j, u, counted):
            pltpu.async_copy(gbs[u], agg_sh.at[dst_v.at[j]], sss[u],
                             add=True)
            if counted:
                pltpu.async_copy(ones_v, cnt_sh.at[dst_v.at[j]], sss[u],
                                 add=True)

        def drain_scatter(u, counted):
            pltpu.make_async_copy(gbs[u], agg_sh.at[dst_v.at[0]],
                                  sss[u]).wait()
            if counted:
                pltpu.make_async_copy(
                    ones_v, cnt_sh.at[dst_v.at[0]], sss[u]).wait()

        for u in range(3):
            fire_gather(u, u)

        def body(i, carry):
            j0 = 4 * i
            for u in range(4):
                j = j0 + u
                counted = (u % 2) == count_parity
                drain_gather(u)
                fire_scatter(j, u, counted)
                @pl.when(j + 3 < NCHUNK)
                def _():
                    v = (u + 3) % 4

                    @pl.when(j >= 1)
                    def _():
                        drain_scatter(v, ((u + 3) % 2) == count_parity)

                    fire_gather(j + 3, v)
            return carry

        lax.fori_loop(0, NQUAD, body, 0)

        for j in range(NQUAD * 4, NCHUNK):
            u = j % 4
            drain_gather(u)
            fire_scatter(j, u, (u % 2) == count_parity)
        for j in range(NCHUNK - 4, NCHUNK):
            u = j % 4
            drain_scatter(u, (u % 2) == count_parity)

    @pl.when(c == 0)
    def _():
        run(x0b, 0)

    @pl.when(c == 1)
    def _():
        run(x1b, 1)

    plsc.subcore_barrier()

    pltpu.sync_copy(agg_sh.at[rows], agg_out.at[c, rows])
    pltpu.sync_copy(cnt_sh.at[rows], cnt_out.at[c, rows])


def _sc_aggregate(x0b, x1b, srcs, dsts, zc, ones_h):
    mesh = plsc.VectorSubcoreMesh(core_axis_name="c", subcore_axis_name="s",
                                  num_cores=NCORE, num_subcores=NSUB)
    return pl.kernel(
        _sc_body,
        out_type=(jax.ShapeDtypeStruct((NCORE, NPAD, DH), jnp.bfloat16),
                  jax.ShapeDtypeStruct((NCORE, NPAD, CW), jnp.float32)),
        mesh=mesh,
        scratch_types=[
            pltpu.VMEM_SHARED((NPAD, DH), jnp.bfloat16),
            pltpu.VMEM_SHARED((NPAD, CW), jnp.float32),
            pltpu.VMEM((NCHUNK, CHUNK), jnp.int32),
            pltpu.VMEM((NCHUNK, CHUNK), jnp.int32),
            pltpu.VMEM((CHUNK, DH), jnp.bfloat16),
            pltpu.VMEM((CHUNK, DH), jnp.bfloat16),
            pltpu.VMEM((CHUNK, DH), jnp.bfloat16),
            pltpu.VMEM((CHUNK, DH), jnp.bfloat16),
            pltpu.VMEM((CHUNK, CW), jnp.float32),
            pltpu.SemaphoreType.DMA,
            pltpu.SemaphoreType.DMA,
            pltpu.SemaphoreType.DMA,
            pltpu.SemaphoreType.DMA,
            pltpu.SemaphoreType.DMA,
            pltpu.SemaphoreType.DMA,
            pltpu.SemaphoreType.DMA,
            pltpu.SemaphoreType.DMA,
        ],
        compiler_params=pltpu.CompilerParams(use_tc_tiling_on_sc=False),
    )(x0b, x1b, srcs, dsts, zc, ones_h)


TCBM = 1264


def _tc_body(agg_hbm, cnt_hbm, w_ref, b_ref, out_ref, av, cv, sem):
    i = pl.program_id(0)
    ca = pltpu.make_async_copy(
        agg_hbm.at[:, pl.ds(i * TCBM, TCBM), :], av, sem)
    ca.start()
    cc = pltpu.make_async_copy(
        cnt_hbm.at[:, pl.ds(i * TCBM, TCBM), :], cv, sem)
    cc.start()
    ca.wait()
    cc.wait()
    a = jnp.concatenate([av[0], av[1]], axis=1).astype(jnp.float32)
    cnt = cv[0, :, 0:1] + cv[1, :, 0:1]
    denom = 1.0 + jnp.maximum(cnt, 1.0)
    a = (a / denom).astype(jnp.bfloat16)
    w = w_ref[:].astype(jnp.bfloat16)
    o = lax.dot_general(a, w, (((1,), (1,)), ((), ())),
                        preferred_element_type=jnp.float32)
    o = o + b_ref[:]
    out_ref[:] = jnp.where(o >= 0.0, o, 0.2 * o)


def _tc_tail(agg, cnt, w, b2):
    return pl.pallas_call(
        _tc_body,
        grid=(NPAD // TCBM,),
        in_specs=[
            pl.BlockSpec(memory_space=pl.ANY),
            pl.BlockSpec(memory_space=pl.ANY),
            pl.BlockSpec((DIN, DIN), lambda i: (0, 0)),
            pl.BlockSpec((1, DIN), lambda i: (0, 0)),
        ],
        out_specs=pl.BlockSpec((TCBM, DIN), lambda i: (i, 0)),
        out_shape=jax.ShapeDtypeStruct((N, DIN), jnp.float32),
        scratch_shapes=[
            pltpu.VMEM((NCORE, TCBM, DH), jnp.bfloat16),
            pltpu.VMEM((NCORE, TCBM, CW), jnp.float32),
            pltpu.SemaphoreType.DMA,
        ],
    )(agg, cnt, w, b2)


def kernel(x, edge_index, W, b):
    src = edge_index[0].astype(jnp.int32)
    dst = edge_index[1].astype(jnp.int32)
    pad = EPAD - E
    src = jnp.concatenate([src, jnp.arange(pad, dtype=jnp.int32) % N])
    dst = jnp.concatenate(
        [dst, N + (jnp.arange(pad, dtype=jnp.int32) % (NPAD - N))])
    srcs = src.reshape(NSUB, NCHUNK, CHUNK)
    dsts = dst.reshape(NSUB, NCHUNK, CHUNK)
    xb = x.astype(jnp.bfloat16)
    x0b = xb[:, :DH]
    x1b = xb[:, DH:]
    zc = jnp.zeros((NPAD, CW), jnp.float32)
    ones_h = jnp.ones((CHUNK, CW), jnp.float32)
    agg, cnt = _sc_aggregate(x0b, x1b, srcs, dsts, zc, ones_h)
    return _tc_tail(agg, cnt, W, b.reshape(1, DIN))

# --- scband reference (transcript-rebuilt; emitter-appended) ---
"""Pipeline reference for scband-simple-graph-conv-44555990729320 (READ-ONLY COPY).

The authoritative reference and input builder live on the scoring server;
editing this copy changes nothing except your own understanding.
"""

import jax, jax.numpy as jnp
import numpy as np

N_NODES = 10000
N_EDGES = 160000
D_IN = 256
D_OUT = 256


def setup_inputs(seed: int = 0) -> dict:
    key = jax.random.key(seed)
    k_x, k_ei, k_w, k_b = jax.random.split(key, 4)
    x = jax.random.normal(k_x, (N_NODES, D_IN), dtype=jnp.float32)
    edge_index = jax.random.randint(k_ei, (2, N_EDGES), 0, N_NODES, dtype=jnp.int64)
    bound = 1.0 / np.sqrt(D_IN)
    W = jax.random.uniform(k_w, (D_OUT, D_IN), minval=-bound, maxval=bound, dtype=jnp.float32)
    b = jax.random.uniform(k_b, (D_OUT,), minval=-bound, maxval=bound, dtype=jnp.float32)
    return {"x": x, "edge_index": edge_index, "W": W, "b": b}


def reference(x, edge_index, W, b):
    n = x.shape[0]
    src = edge_index[0]
    dst = edge_index[1]
    # scatter-add of gathered neighbor features
    agg = jnp.zeros_like(x).at[dst].add(x[src])
    # neighbor counts via scatter-add of ones
    neighbor_count = jnp.zeros((n, 1), dtype=x.dtype).at[dst].add(
        jnp.ones((dst.shape[0], 1), dtype=x.dtype)
    )
    neighbor_count = jnp.clip(neighbor_count, 1.0, None)
    count = jnp.ones((n, 1), dtype=x.dtype)
    agg = (x + agg) / (count + neighbor_count)
    out = agg @ W.T + b
    return jax.nn.leaky_relu(out, negative_slope=0.2)

if __name__ == "__main__":
    import jax
    _d = setup_inputs()
    print(jax.jit(kernel)(*tuple(_d.values())))

</pallas_src>

<mosaic_0001>
#map = affine_map<(d0, d1) -> (0, 0)>
#map1 = affine_map<(d0, d1) -> (0, 0, 0)>
module attributes {stable_mosaic.version = 14 : i64} {
  func.func @_sc_body(%arg0: i32, %arg1: i32, %arg2: memref<10000x128xbf16, #tpu.memory_space<hbm>>, %arg3: memref<10000x128xbf16, #tpu.memory_space<hbm>>, %arg4: memref<16x79x128xi32, #tpu.memory_space<hbm>>, %arg5: memref<16x79x128xi32, #tpu.memory_space<hbm>>, %arg6: memref<10112x16xf32, #tpu.memory_space<hbm>>, %arg7: memref<128x16xf32, #tpu.memory_space<hbm>>, %arg8: memref<2x10112x128xbf16, #tpu.memory_space<hbm>>, %arg9: memref<2x10112x16xf32, #tpu.memory_space<hbm>>, %arg10: memref<10112x128xbf16, #tpu.memory_space<vmem_shared>>, %arg11: memref<10112x16xf32, #tpu.memory_space<vmem_shared>>, %arg12: memref<79x128xi32, #tpu.memory_space<vmem>>, %arg13: memref<79x128xi32, #tpu.memory_space<vmem>>, %arg14: memref<128x128xbf16, #tpu.memory_space<vmem>>, %arg15: memref<128x128xbf16, #tpu.memory_space<vmem>>, %arg16: memref<128x128xbf16, #tpu.memory_space<vmem>>, %arg17: memref<128x128xbf16, #tpu.memory_space<vmem>>, %arg18: memref<128x16xf32, #tpu.memory_space<vmem>>, %arg19: memref<!tpu.dma_semaphore, #tpu.memory_space<semaphore_mem>>, %arg20: memref<!tpu.dma_semaphore, #tpu.memory_space<semaphore_mem>>, %arg21: memref<!tpu.dma_semaphore, #tpu.memory_space<semaphore_mem>>, %arg22: memref<!tpu.dma_semaphore, #tpu.memory_space<semaphore_mem>>, %arg23: memref<!tpu.dma_semaphore, #tpu.memory_space<semaphore_mem>>, %arg24: memref<!tpu.dma_semaphore, #tpu.memory_space<semaphore_mem>>, %arg25: memref<!tpu.dma_semaphore, #tpu.memory_space<semaphore_mem>>, %arg26: memref<!tpu.dma_semaphore, #tpu.memory_space<semaphore_mem>>) attributes {dimension_semantics = [#tpu.dimension_semantics<core_parallel>, #tpu.dimension_semantics<subcore_parallel>], iteration_bounds = array<i64: 2, 16>, scalar_prefetch = 0 : i64, scratch_operands = 17 : i64, tpu.core_type = #tpu.core_type<sc_vector_subcore>, window_params = [{transform_indices = #map}, {transform_indices = #map}, {transform_indices = #map1}, {transform_indices = #map1}, {transform_indices = #map}, {transform_indices = #map}, {transform_indices = #map1}, {transform_indices = #map1}]} {
    %mul3A = arith.constant 632 : i32
    %mul3A_0 = arith.muli %arg1, %mul3A : i32
    "tpu.region"() ({
      %run_scoped3A = tpu.sem_alloc : memref<!tpu.dma_semaphore, #tpu.memory_space<semaphore_mem>>
      %dma_start3A = arith.constant 0 : i32
      %dma_start3A_19 = arith.constant 0 : i32
      %dma_start3A_20 = tpu.memref_slice %arg4[%arg1, %dma_start3A, %dma_start3A_19] : memref<16x79x128xi32, #tpu.memory_space<hbm>> -> memref<1x79x128xi32, #tpu.memory_space<hbm>>
      %dma_start3A_21 = tpu.memref_squeeze %dma_start3A_20 : memref<1x79x128xi32, #tpu.memory_space<hbm>> -> memref<79x128xi32, #tpu.memory_space<hbm>>
      %dma_start3A_22 = arith.constant 0 : i32
      %dma_start3A_23 = arith.constant 0 : i32
      %dma_start3A_24 = tpu.memref_slice %arg4[%arg1, %dma_start3A_22, %dma_start3A_23] : memref<16x79x128xi32, #tpu.memory_space<hbm>> -> memref<1x79x128xi32, #tpu.memory_space<hbm>>
      %dma_start3A_25 = tpu.memref_squeeze %dma_start3A_24 : memref<1x79x128xi32, #tpu.memory_space<hbm>> -> memref<79x128xi32, #tpu.memory_space<hbm>>
      tpu.enqueue_dma source(%dma_start3A_25 : memref<79x128xi32, #tpu.memory_space<hbm>>) target(%arg12 : memref<79x128xi32, #tpu.memory_space<vmem>>) target_semaphore(%run_scoped3A : memref<!tpu.dma_semaphore, #tpu.memory_space<semaphore_mem>>)
      %dma_wait3A = arith.constant 0 : i32
      %dma_wait3A_26 = arith.constant 0 : i32
      %dma_wait3A_27 = tpu.memref_slice %arg4[%arg1, %dma_wait3A, %dma_wait3A_26] : memref<16x79x128xi32, #tpu.memory_space<hbm>> -> memref<1x79x128xi32, #tpu.memory_space<hbm>>
      %dma_wait3A_28 = tpu.memref_squeeze %dma_wait3A_27 : memref<1x79x128xi32, #tpu.memory_space<hbm>> -> memref<79x128xi32, #tpu.memory_space<hbm>>
      %dma_wait3A_29 = arith.constant 0 : i32
      %dma_wait3A_30 = arith.constant 0 : i32
      %dma_wait3A_31 = tpu.memref_slice %arg4[%arg1, %dma_wait3A_29, %dma_wait3A_30] : memref<16x79x128xi32, #tpu.memory_space<hbm>> -> memref<1x79x128xi32, #tpu.memory_space<hbm>>
      %dma_wait3A_32 = tpu.memref_squeeze %dma_wait3A_31 : memref<1x79x128xi32, #tpu.memory_space<hbm>> -> memref<79x128xi32, #tpu.memory_space<hbm>>
      tpu.wait_dma2 semaphore(%run_scoped3A : memref<!tpu.dma_semaphore, #tpu.memory_space<semaphore_mem>>) src(%dma_wait3A_32 : memref<79x128xi32, #tpu.memory_space<hbm>>) dst(%arg12 : memref<79x128xi32, #tpu.memory_space<vmem>>)
      tpu.yield
    }) : () -> ()
    "tpu.region"() ({
      %run_scoped3A = tpu.sem_alloc : memref<!tpu.dma_semaphore, #tpu.memory_space<semaphore_mem>>
      %dma_start3A = arith.constant 0 : i32
      %dma_start3A_19 = arith.constant 0 : i32
      %dma_start3A_20 = tpu.memref_slice %arg5[%arg1, %dma_start3A, %dma_start3A_19] : memref<16x79x128xi32, #tpu.memory_space<hbm>> -> memref<1x79x128xi32, #tpu.memory_space<hbm>>
      %dma_start3A_21 = tpu.memref_squeeze %dma_start3A_20 : memref<1x79x128xi32, #tpu.memory_space<hbm>> -> memref<79x128xi32, #tpu.memory_space<hbm>>
      %dma_start3A_22 = arith.constant 0 : i32
      %dma_start3A_23 = arith.constant 0 : i32
      %dma_start3A_24 = tpu.memref_slice %arg5[%arg1, %dma_start3A_22, %dma_start3A_23] : memref<16x79x128xi32, #tpu.memory_space<hbm>> -> memref<1x79x128xi32, #tpu.memory_space<hbm>>
      %dma_start3A_25 = tpu.memref_squeeze %dma_start3A_24 : memref<1x79x128xi32, #tpu.memory_space<hbm>> -> memref<79x128xi32, #tpu.memory_space<hbm>>
      tpu.enqueue_dma source(%dma_start3A_25 : memref<79x128xi32, #tpu.memory_space<hbm>>) target(%arg13 : memref<79x128xi32, #tpu.memory_space<vmem>>) target_semaphore(%run_scoped3A : memref<!tpu.dma_semaphore, #tpu.memory_space<semaphore_mem>>)
      %dma_wait3A = arith.constant 0 : i32
      %dma_wait3A_26 = arith.constant 0 : i32
      %dma_wait3A_27 = tpu.memref_slice %arg5[%arg1, %dma_wait3A, %dma_wait3A_26] : memref<16x79x128xi32, #tpu.memory_space<hbm>> -> memref<1x79x128xi32, #tpu.memory_space<hbm>>
      %dma_wait3A_28 = tpu.memref_squeeze %dma_wait3A_27 : memref<1x79x128xi32, #tpu.memory_space<hbm>> -> memref<79x128xi32, #tpu.memory_space<hbm>>
      %dma_wait3A_29 = arith.constant 0 : i32
      %dma_wait3A_30 = arith.constant 0 : i32
      %dma_wait3A_31 = tpu.memref_slice %arg5[%arg1, %dma_wait3A_29, %dma_wait3A_30] : memref<16x79x128xi32, #tpu.memory_space<hbm>> -> memref<1x79x128xi32, #tpu.memory_space<hbm>>
      %dma_wait3A_32 = tpu.memref_squeeze %dma_wait3A_31 : memref<1x79x128xi32, #tpu.memory_space<hbm>> -> memref<79x128xi32, #tpu.memory_space<hbm>>
      tpu.wait_dma2 semaphore(%run_scoped3A : memref<!tpu.dma_semaphore, #tpu.memory_space<semaphore_mem>>) src(%dma_wait3A_32 : memref<79x128xi32, #tpu.memory_space<hbm>>) dst(%arg13 : memref<79x128xi32, #tpu.memory_space<vmem>>)
      tpu.yield
    }) : () -> ()
    "tpu.region"() ({
      %run_scoped3A = tpu.sem_alloc : memref<!tpu.dma_semaphore, #tpu.memory_space<semaphore_mem>>
      %dma_start3A = arith.constant 0 : i32
      %dma_start3A_19 = tpu.memref_slice %arg11[%mul3A_0, %dma_start3A] : memref<10112x16xf32, #tpu.memory_space<vmem_shared>> -> memref<632x16xf32, #tpu.memory_space<vmem_shared>>
      %dma_start3A_20 = arith.constant 0 : i32
      %dma_start3A_21 = tpu.memref_slice %arg6[%mul3A_0, %dma_start3A_20] : memref<10112x16xf32, #tpu.memory_space<hbm>> -> memref<632x16xf32, #tpu.memory_space<hbm>>
      tpu.enqueue_dma source(%dma_start3A_21 : memref<632x16xf32, #tpu.memory_space<hbm>>) target(%dma_start3A_19 : memref<632x16xf32, #tpu.memory_space<vmem_shared>>) target_semaphore(%run_scoped3A : memref<!tpu.dma_semaphore, #tpu.memory_space<semaphore_mem>>)
      %dma_wait3A = arith.constant 0 : i32
      %dma_wait3A_22 = tpu.memref_slice %arg11[%mul3A_0, %dma_wait3A] : memref<10112x16xf32, #tpu.memory_space<vmem_shared>> -> memref<632x16xf32, #tpu.memory_space<vmem_shared>>
      %dma_wait3A_23 = arith.constant 0 : i32
      %dma_wait3A_24 = tpu.memref_slice %arg6[%mul3A_0, %dma_wait3A_23] : memref<10112x16xf32, #tpu.memory_space<hbm>> -> memref<632x16xf32, #tpu.memory_space<hbm>>
      tpu.wait_dma2 semaphore(%run_scoped3A : memref<!tpu.dma_semaphore, #tpu.memory_space<semaphore_mem>>) src(%dma_wait3A_24 : memref<632x16xf32, #tpu.memory_space<hbm>>) dst(%dma_wait3A_22 : memref<632x16xf32, #tpu.memory_space<vmem_shared>>)
      tpu.yield
    }) : () -> ()
    "tpu.region"() ({
      %run_scoped3A = tpu.sem_alloc : memref<!tpu.dma_semaphore, #tpu.memory_space<semaphore_mem>>
      tpu.enqueue_dma source(%arg7 : memref<128x16xf32, #tpu.memory_space<hbm>>) target(%arg18 : memref<128x16xf32, #tpu.memory_space<vmem>>) target_semaphore(%run_scoped3A : memref<!tpu.dma_semaphore, #tpu.memory_space<semaphore_mem>>)
      tpu.wait_dma2 semaphore(%run_scoped3A : memref<!tpu.dma_semaphore, #tpu.memory_space<semaphore_mem>>) src(%arg7 : memref<128x16xf32, #tpu.memory_space<hbm>>) dst(%arg18 : memref<128x16xf32, #tpu.memory_space<vmem>>)
      tpu.yield
    }) : () -> ()
    %eq3A = arith.constant 0 : i32
    %eq3A_1 = arith.cmpi eq, %arg0, %eq3A : i32
    %convert_element_type3A = arith.extui %eq3A_1 : i1 to i32
    %cond3A = arith.constant 0 : i32
    %cond3A_2 = arith.cmpi ne, %convert_element_type3A, %cond3A : i32
    scf.if %cond3A_2 {
      %lt3A = arith.constant 15 : i32
      %lt3A_19 = arith.cmpi slt, %arg1, %lt3A : i32
      %convert_element_type3A_20 = arith.extui %lt3A_19 : i1 to i32
      %cond3A_21 = arith.constant 0 : i32
      %cond3A_22 = arith.cmpi ne, %convert_element_type3A_20, %cond3A_21 : i32
      scf.if %cond3A_22 {
        "tpu.region"() ({
          %run_scoped3A = tpu.sem_alloc : memref<!tpu.dma_semaphore, #tpu.memory_space<semaphore_mem>>
          %dma_start3A = arith.constant 0 : i32
          %dma_start3A_28 = tpu.memref_slice %arg10[%mul3A_0, %dma_start3A] : memref<10112x128xbf16, #tpu.memory_space<vmem_shared>> -> memref<632x128xbf16, #tpu.memory_space<vmem_shared>>
          %dma_start3A_29 = arith.constant 0 : i32
          %dma_start3A_30 = tpu.memref_slice %arg2[%mul3A_0, %dma_start3A_29] : memref<10000x128xbf16, #tpu.memory_space<hbm>> -> memref<632x128xbf16, #tpu.memory_space<hbm>>
          tpu.enqueue_dma source(%dma_start3A_30 : memref<632x128xbf16, #tpu.memory_space<hbm>>) target(%dma_start3A_28 : memref<632x128xbf16, #tpu.memory_space<vmem_shared>>) target_semaphore(%run_scoped3A : memref<!tpu.dma_semaphore, #tpu.memory_space<semaphore_mem>>)
          %dma_wait3A = arith.constant 0 : i32
          %dma_wait3A_31 = tpu.memref_slice %arg10[%mul3A_0, %dma_wait3A] : memref<10112x128xbf16, #tpu.memory_space<vmem_shared>> -> memref<632x128xbf16, #tpu.memory_space<vmem_shared>>
          %dma_wait3A_32 = arith.constant 0 : i32
          %dma_wait3A_33 = tpu.memref_slice %arg2[%mul3A_0, %dma_wait3A_32] : memref<10000x128xbf16, #tpu.memory_space<hbm>> -> memref<632x128xbf16, #tpu.memory_space<hbm>>
          tpu.wait_dma2 semaphore(%run_scoped3A : memref<!tpu.dma_semaphore, #tpu.memory_space<semaphore_mem>>) src(%dma_wait3A_33 : memref<632x128xbf16, #tpu.memory_space<hbm>>) dst(%dma_wait3A_31 : memref<632x128xbf16, #tpu.memory_space<vmem_shared>>)
          tpu.yield
        }) : () -> ()
      } else {
      }
      %eq3A_23 = arith.constant 15 : i32
      %eq3A_24 = arith.cmpi eq, %arg1, %eq3A_23 : i32
      %convert_element_type3A_25 = arith.extui %eq3A_24 : i1 to i32
      %cond3A_26 = arith.constant 0 : i32
      %cond3A_27 = arith.cmpi ne, %convert_element_type3A_25, %cond3A_26 : i32
      scf.if %cond3A_27 {
        "tpu.region"() ({
          %run_scoped3A = tpu.sem_alloc : memref<!tpu.dma_semaphore, #tpu.memory_space<semaphore_mem>>
          %dma_start3A = arith.constant 9480 : i32
          %dma_start3A_28 = arith.constant 0 : i32
          %dma_start3A_29 = tpu.memref_slice %arg10[%dma_start3A, %dma_start3A_28] : memref<10112x128xbf16, #tpu.memory_space<vmem_shared>> -> memref<520x128xbf16, #tpu.memory_space<vmem_shared>>
          %dma_start3A_30 = arith.constant 9480 : i32
          %dma_start3A_31 = arith.constant 0 : i32
          %dma_start3A_32 = tpu.memref_slice %arg2[%dma_start3A_30, %dma_start3A_31] : memref<10000x128xbf16, #tpu.memory_space<hbm>> -> memref<520x128xbf16, #tpu.memory_space<hbm>>
          tpu.enqueue_dma source(%dma_start3A_32 : memref<520x128xbf16, #tpu.memory_space<hbm>>) target(%dma_start3A_29 : memref<520x128xbf16, #tpu.memory_space<vmem_shared>>) target_semaphore(%run_scoped3A : memref<!tpu.dma_semaphore, #tpu.memory_space<semaphore_mem>>)
          %dma_wait3A = arith.constant 9480 : i32
          %dma_wait3A_33 = arith.constant 0 : i32
          %dma_wait3A_34 = tpu.memref_slice %arg10[%dma_wait3A, %dma_wait3A_33] : memref<10112x128xbf16, #tpu.memory_space<vmem_shared>> -> memref<520x128xbf16, #tpu.memory_space<vmem_shared>>
          %dma_wait3A_35 = arith.constant 9480 : i32
          %dma_wait3A_36 = arith.constant 0 : i32
          %dma_wait3A_37 = tpu.memref_slice %arg2[%dma_wait3A_35, %dma_wait3A_36] : memref<10000x128xbf16, #tpu.memory_space<hbm>> -> memref<520x128xbf16, #tpu.memory_space<hbm>>
          tpu.wait_dma2 semaphore(%run_scoped3A : memref<!tpu.dma_semaphore, #tpu.memory_space<semaphore_mem>>) src(%dma_wait3A_37 : memref<520x128xbf16, #tpu.memory_space<hbm>>) dst(%dma_wait3A_34 : memref<520x128xbf16, #tpu.memory_space<vmem_shared>>)
          tpu.yield
        }) : () -> ()
      } else {
      }
    } else {
    }
    %eq3A_3 = arith.constant 1 : i32
    %eq3A_4 = arith.cmpi eq, %arg0, %eq3A_3 : i32
    %convert_element_type3A_5 = arith.extui %eq3A_4 : i1 to i32
    %cond3A_6 = arith.constant 0 : i32
    %cond3A_7 = arith.cmpi ne, %convert_element_type3A_5, %cond3A_6 : i32
    scf.if %cond3A_7 {
      %lt3A = arith.constant 15 : i32
      %lt3A_19 = arith.cmpi slt, %arg1, %lt3A : i32
      %convert_element_type3A_20 = arith.extui %lt3A_19 : i1 to i32
      %cond3A_21 = arith.constant 0 : i32
      %cond3A_22 = arith.cmpi ne, %convert_element_type3A_20, %cond3A_21 : i32
      scf.if %cond3A_22 {
        "tpu.region"() ({
          %run_scoped3A = tpu.sem_alloc : memref<!tpu.dma_semaphore, #tpu.memory_space<semaphore_mem>>
          %dma_start3A = arith.constant 0 : i32
          %dma_start3A_28 = tpu.memref_slice %arg10[%mul3A_0, %dma_start3A] : memref<10112x128xbf16, #tpu.memory_space<vmem_shared>> -> memref<632x128xbf16, #tpu.memory_space<vmem_shared>>
          %dma_start3A_29 = arith.constant 0 : i32
          %dma_start3A_30 = tpu.memref_slice %arg3[%mul3A_0, %dma_start3A_29] : memref<10000x128xbf16, #tpu.memory_space<hbm>> -> memref<632x128xbf16, #tpu.memory_space<hbm>>
          tpu.enqueue_dma source(%dma_start3A_30 : memref<632x128xbf16, #tpu.memory_space<hbm>>) target(%dma_start3A_28 : memref<632x128xbf16, #tpu.memory_space<vmem_shared>>) target_semaphore(%run_scoped3A : memref<!tpu.dma_semaphore, #tpu.memory_space<semaphore_mem>>)
          %dma_wait3A = arith.constant 0 : i32
          %dma_wait3A_31 = tpu.memref_slice %arg10[%mul3A_0, %dma_wait3A] : memref<10112x128xbf16, #tpu.memory_space<vmem_shared>> -> memref<632x128xbf16, #tpu.memory_space<vmem_shared>>
          %dma_wait3A_32 = arith.constant 0 : i32
          %dma_wait3A_33 = tpu.memref_slice %arg3[%mul3A_0, %dma_wait3A_32] : memref<10000x128xbf16, #tpu.memory_space<hbm>> -> memref<632x128xbf16, #tpu.memory_space<hbm>>
          tpu.wait_dma2 semaphore(%run_scoped3A : memref<!tpu.dma_semaphore, #tpu.memory_space<semaphore_mem>>) src(%dma_wait3A_33 : memref<632x128xbf16, #tpu.memory_space<hbm>>) dst(%dma_wait3A_31 : memref<632x128xbf16, #tpu.memory_space<vmem_shared>>)
          tpu.yield
        }) : () -> ()
      } else {
      }
      %eq3A_23 = arith.constant 15 : i32
      %eq3A_24 = arith.cmpi eq, %arg1, %eq3A_23 : i32
      %convert_element_type3A_25 = arith.extui %eq3A_24 : i1 to i32
      %cond3A_26 = arith.constant 0 : i32
      %cond3A_27 = arith.cmpi ne, %convert_element_type3A_25, %cond3A_26 : i32
      scf.if %cond3A_27 {
        "tpu.region"() ({
          %run_scoped3A = tpu.sem_alloc : memref<!tpu.dma_semaphore, #tpu.memory_space<semaphore_mem>>
          %dma_start3A = arith.constant 9480 : i32
          %dma_start3A_28 = arith.constant 0 : i32
          %dma_start3A_29 = tpu.memref_slice %arg10[%dma_start3A, %dma_start3A_28] : memref<10112x128xbf16, #tpu.memory_space<vmem_shared>> -> memref<520x128xbf16, #tpu.memory_space<vmem_shared>>
          %dma_start3A_30 = arith.constant 9480 : i32
          %dma_start3A_31 = arith.constant 0 : i32
          %dma_start3A_32 = tpu.memref_slice %arg3[%dma_start3A_30, %dma_start3A_31] : memref<10000x128xbf16, #tpu.memory_space<hbm>> -> memref<520x128xbf16, #tpu.memory_space<hbm>>
          tpu.enqueue_dma source(%dma_start3A_32 : memref<520x128xbf16, #tpu.memory_space<hbm>>) target(%dma_start3A_29 : memref<520x128xbf16, #tpu.memory_space<vmem_shared>>) target_semaphore(%run_scoped3A : memref<!tpu.dma_semaphore, #tpu.memory_space<semaphore_mem>>)
          %dma_wait3A = arith.constant 9480 : i32
          %dma_wait3A_33 = arith.constant 0 : i32
          %dma_wait3A_34 = tpu.memref_slice %arg10[%dma_wait3A, %dma_wait3A_33] : memref<10112x128xbf16, #tpu.memory_space<vmem_shared>> -> memref<520x128xbf16, #tpu.memory_space<vmem_shared>>
          %dma_wait3A_35 = arith.constant 9480 : i32
          %dma_wait3A_36 = arith.constant 0 : i32
          %dma_wait3A_37 = tpu.memref_slice %arg3[%dma_wait3A_35, %dma_wait3A_36] : memref<10000x128xbf16, #tpu.memory_space<hbm>> -> memref<520x128xbf16, #tpu.memory_space<hbm>>
          tpu.wait_dma2 semaphore(%run_scoped3A : memref<!tpu.dma_semaphore, #tpu.memory_space<semaphore_mem>>) src(%dma_wait3A_37 : memref<520x128xbf16, #tpu.memory_space<hbm>>) dst(%dma_wait3A_34 : memref<520x128xbf16, #tpu.memory_space<vmem_shared>>)
          tpu.yield
        }) : () -> ()
      } else {
      }
    } else {
    }
    %barrier3A = arith.constant 0 : index
    tpu.barrier barrier_id(%barrier3A)
    %eq3A_8 = arith.constant 0 : i32
    %eq3A_9 = arith.cmpi eq, %arg0, %eq3A_8 : i32
    %convert_element_type3A_10 = arith.extui %eq3A_9 : i1 to i32
    %cond3A_11 = arith.constant 0 : i32
    %cond3A_12 = arith.cmpi ne, %convert_element_type3A_10, %cond3A_11 : i32
    scf.if %cond3A_12 {
      %dma_start3A = arith.constant 0 : i32
      %dma_start3A_19 = arith.constant 0 : i32
      %dma_start3A_20 = tpu.memref_slice %arg12[%dma_start3A, %dma_start3A_19] : memref<79x128xi32, #tpu.memory_space<vmem>> -> memref<1x128xi32, #tpu.memory_space<vmem>>
      %dma_start3A_21 = tpu.memref_squeeze %dma_start3A_20 : memref<1x128xi32, #tpu.memory_space<vmem>> -> memref<128xi32, #tpu.memory_space<vmem>>
      %dma_start3A_22 = arith.constant 0 : i32
      %dma_start3A_23 = arith.constant 0 : i32
      %dma_start3A_24 = tpu.memref_slice %arg2[%dma_start3A_22, %dma_start3A_23] : memref<10000x128xbf16, #tpu.memory_space<hbm>> -> memref<10000x128xbf16, #tpu.memory_space<hbm>>
      tpu.enqueue_indirect_dma source(%dma_start3A_24 : memref<10000x128xbf16, #tpu.memory_space<hbm>>) target(%arg14 : memref<128x128xbf16, #tpu.memory_space<vmem>>) offsets(%dma_start3A_21 : memref<128xi32, #tpu.memory_space<vmem>>) semaphore(%arg19 : memref<!tpu.dma_semaphore, #tpu.memory_space<semaphore_mem>>)
      %dma_start3A_25 = arith.constant 1 : i32
      %dma_start3A_26 = arith.constant 0 : i32
      %dma_start3A_27 = tpu.memref_slice %arg12[%dma_start3A_25, %dma_start3A_26] : memref<79x128xi32, #tpu.memory_space<vmem>> -> memref<1x128xi32, #tpu.memory_space<vmem>>
      %dma_start3A_28 = tpu.memref_squeeze %dma_start3A_27 : memref<1x128xi32, #tpu.memory_space<vmem>> -> memref<128xi32, #tpu.memory_space<vmem>>
      %dma_start3A_29 = arith.constant 0 : i32
      %dma_start3A_30 = arith.constant 0 : i32
      %dma_start3A_31 = tpu.memref_slice %arg2[%dma_start3A_29, %dma_start3A_30] : memref<10000x128xbf16, #tpu.memory_space<hbm>> -> memref<10000x128xbf16, #tpu.memory_space<hbm>>
      tpu.enqueue_indirect_dma source(%dma_start3A_31 : memref<10000x128xbf16, #tpu.memory_space<hbm>>) target(%arg15 : memref<128x128xbf16, #tpu.memory_space<vmem>>) offsets(%dma_start3A_28 : memref<128xi32, #tpu.memory_space<vmem>>) semaphore(%arg20 : memref<!tpu.dma_semaphore, #tpu.memory_space<semaphore_mem>>)
      %dma_start3A_32 = arith.constant 2 : i32
      %dma_start3A_33 = arith.constant 0 : i32
      %dma_start3A_34 = tpu.memref_slice %arg12[%dma_start3A_32, %dma_start3A_33] : memref<79x128xi32, #tpu.memory_space<vmem>> -> memref<1x128xi32, #tpu.memory_space<vmem>>
      %dma_start3A_35 = tpu.memref_squeeze %dma_start3A_34 : memref<1x128xi32, #tpu.memory_space<vmem>> -> memref<128xi32, #tpu.memory_space<vmem>>
      %dma_start3A_36 = arith.constant 0 : i32
      %dma_start3A_37 = arith.constant 0 : i32
      %dma_start3A_38 = tpu.memref_slice %arg2[%dma_start3A_36, %dma_start3A_37] : memref<10000x128xbf16, #tpu.memory_space<hbm>> -> memref<10000x128xbf16, #tpu.memory_space<hbm>>
      tpu.enqueue_indirect_dma source(%dma_start3A_38 : memref<10000x128xbf16, #tpu.memory_space<hbm>>) target(%arg16 : memref<128x128xbf16, #tpu.memory_space<vmem>>) offsets(%dma_start3A_35 : memref<128xi32, #tpu.memory_space<vmem>>) semaphore(%arg21 : memref<!tpu.dma_semaphore, #tpu.memory_space<semaphore_mem>>)
      %scan3A = arith.constant 0 : i32
      %scan3A_39 = arith.constant 0 : i32
      %scan3A_40 = arith.constant 19 : i32
      %scan3A_41 = arith.addi %scan3A_39, %scan3A_40 : i32
      %scan3A_42 = arith.constant 1 : i32
      scf.for %scan3A_141 = %scan3A_39 to %scan3A_41 step %scan3A_42  : i32 {
        %mul3A_142 = arith.constant 4 : i32
        %mul3A_143 = arith.muli %mul3A_142, %scan3A_141 : i32
        %add3A = arith.constant 0 : i32
        %add3A_144 = arith.addi %mul3A_143, %add3A : i32
        %dma_wait3A_145 = arith.constant 0 : i32
        %dma_wait3A_146 = arith.constant 0 : i32
        %dma_wait3A_147 = tpu.memref_slice %arg12[%dma_wait3A_145, %dma_wait3A_146] : memref<79x128xi32, #tpu.memory_space<vmem>> -> memref<1x128xi32, #tpu.memory_space<vmem>>
        %dma_wait3A_148 = tpu.memref_squeeze %dma_wait3A_147 : memref<1x128xi32, #tpu.memory_space<vmem>> -> memref<128xi32, #tpu.memory_space<vmem>>
        %dma_wait3A_149 = arith.constant 0 : i32
        %dma_wait3A_150 = arith.constant 0 : i32
        %dma_wait3A_151 = tpu.memref_slice %arg2[%dma_wait3A_149, %dma_wait3A_150] : memref<10000x128xbf16, #tpu.memory_space<hbm>> -> memref<10000x128xbf16, #tpu.memory_space<hbm>>
        tpu.wait_indirect_dma semaphore(%arg19 : memref<!tpu.dma_semaphore, #tpu.memory_space<semaphore_mem>>) src(%dma_wait3A_151 : memref<10000x128xbf16, #tpu.memory_space<hbm>>) dst(%arg14 : memref<128x128xbf16, #tpu.memory_space<vmem>>)
        %dma_start3A_152 = arith.constant 0 : i32
        %dma_start3A_153 = tpu.memref_slice %arg13[%add3A_144, %dma_start3A_152] : memref<79x128xi32, #tpu.memory_space<vmem>> -> memref<1x128xi32, #tpu.memory_space<vmem>>
        %dma_start3A_154 = tpu.memref_squeeze %dma_start3A_153 : memref<1x128xi32, #tpu.memory_space<vmem>> -> memref<128xi32, #tpu.memory_space<vmem>>
        %dma_start3A_155 = arith.constant 0 : i32
        %dma_start3A_156 = arith.constant 0 : i32
        %dma_start3A_157 = tpu.memref_slice %arg10[%dma_start3A_155, %dma_start3A_156] : memref<10112x128xbf16, #tpu.memory_space<vmem_shared>> -> memref<10112x128xbf16, #tpu.memory_space<vmem_shared>>
        tpu.enqueue_indirect_dma source(%arg14 : memref<128x128xbf16, #tpu.memory_space<vmem>>) target(%dma_start3A_157 : memref<10112x128xbf16, #tpu.memory_space<vmem_shared>>) offsets(%dma_start3A_154 : memref<128xi32, #tpu.memory_space<vmem>>) semaphore(%arg23 : memref<!tpu.dma_semaphore, #tpu.memory_space<semaphore_mem>>) {add = true}
        %dma_start3A_158 = arith.constant 0 : i32
        %dma_start3A_159 = tpu.memref_slice %arg13[%add3A_144, %dma_start3A_158] : memref<79x128xi32, #tpu.memory_space<vmem>> -> memref<1x128xi32, #tpu.memory_space<vmem>>
        %dma_start3A_160 = tpu.memref_squeeze %dma_start3A_159 : memref<1x128xi32, #tpu.memory_space<vmem>> -> memref<128xi32, #tpu.memory_space<vmem>>
        %dma_start3A_161 = arith.constant 0 : i32
        %dma_start3A_162 = arith.constant 0 : i32
        %dma_start3A_163 = tpu.memref_slice %arg11[%dma_start3A_161, %dma_start3A_162] : memref<10112x16xf32, #tpu.memory_space<vmem_shared>> -> memref<10112x16xf32, #tpu.memory_space<vmem_shared>>
        tpu.enqueue_indirect_dma source(%arg18 : memref<128x16xf32, #tpu.memory_space<vmem>>) target(%dma_start3A_163 : memref<10112x16xf32, #tpu.memory_space<vmem_shared>>) offsets(%dma_start3A_160 : memref<128xi32, #tpu.memory_space<vmem>>) semaphore(%arg23 : memref<!tpu.dma_semaphore, #tpu.memory_space<semaphore_mem>>) {add = true}
        %add3A_164 = arith.constant 3 : i32
        %add3A_165 = arith.addi %add3A_144, %add3A_164 : i32
        %lt3A = arith.constant 79 : i32
        %lt3A_166 = arith.cmpi slt, %add3A_165, %lt3A : i32
        %convert_element_type3A_167 = arith.extui %lt3A_166 : i1 to i32
        %cond3A_168 = arith.constant 0 : i32
        %cond3A_169 = arith.cmpi ne, %convert_element_type3A_167, %cond3A_168 : i32
        scf.if %cond3A_169 {
          %ge3A = arith.constant 1 : i32
          %ge3A_242 = arith.cmpi sge, %add3A_144, %ge3A : i32
          %convert_element_type3A_243 = arith.extui %ge3A_242 : i1 to i32
          %cond3A_244 = arith.constant 0 : i32
          %cond3A_245 = arith.cmpi ne, %convert_element_type3A_243, %cond3A_244 : i32
          scf.if %cond3A_245 {
            %dma_wait3A_254 = arith.constant 0 : i32
            %dma_wait3A_255 = arith.constant 0 : i32
            %dma_wait3A_256 = tpu.memref_slice %arg13[%dma_wait3A_254, %dma_wait3A_255] : memref<79x128xi32, #tpu.memory_space<vmem>> -> memref<1x128xi32, #tpu.memory_space<vmem>>
            %dma_wait3A_257 = tpu.memref_squeeze %dma_wait3A_256 : memref<1x128xi32, #tpu.memory_space<vmem>> -> memref<128xi32, #tpu.memory_space<vmem>>
            %dma_wait3A_258 = arith.constant 0 : i32
            %dma_wait3A_259 = arith.constant 0 : i32
            %dma_wait3A_260 = tpu.memref_slice %arg10[%dma_wait3A_258, %dma_wait3A_259] : memref<10112x128xbf16, #tpu.memory_space<vmem_shared>> -> memref<10112x128xbf16, #tpu.memory_space<vmem_shared>>
            tpu.wait_indirect_dma semaphore(%arg26 : memref<!tpu.dma_semaphore, #tpu.memory_space<semaphore_mem>>) src(%arg17 : memref<128x128xbf16, #tpu.memory_space<vmem>>) dst(%dma_wait3A_260 : memref<10112x128xbf16, #tpu.memory_space<vmem_shared>>)
          } else {
          }
          %add3A_246 = arith.constant 3 : i32
          %add3A_247 = arith.addi %add3A_144, %add3A_246 : i32
          %dma_start3A_248 = arith.constant 0 : i32
          %dma_start3A_249 = tpu.memref_slice %arg12[%add3A_247, %dma_start3A_248] : memref<79x128xi32, #tpu.memory_space<vmem>> -> memref<1x128xi32, #tpu.memory_space<vmem>>
          %dma_start3A_250 = tpu.memref_squeeze %dma_start3A_249 : memref<1x128xi32, #tpu.memory_space<vmem>> -> memref<128xi32, #tpu.memory_space<vmem>>
          %dma_start3A_251 = arith.constant 0 : i32
          %dma_start3A_252 = arith.constant 0 : i32
          %dma_start3A_253 = tpu.memref_slice %arg2[%dma_start3A_251, %dma_start3A_252] : memref<10000x128xbf16, #tpu.memory_space<hbm>> -> memref<10000x128xbf16, #tpu.memory_space<hbm>>
          tpu.enqueue_indirect_dma source(%dma_start3A_253 : memref<10000x128xbf16, #tpu.memory_space<hbm>>) target(%arg17 : memref<128x128xbf16, #tpu.memory_space<vmem>>) offsets(%dma_start3A_250 : memref<128xi32, #tpu.memory_space<vmem>>) semaphore(%arg22 : memref<!tpu.dma_semaphore, #tpu.memory_space<semaphore_mem>>)
        } else {
        }
        %add3A_170 = arith.constant 1 : i32
        %add3A_171 = arith.addi %mul3A_143, %add3A_170 : i32
        %dma_wait3A_172 = arith.constant 0 : i32
        %dma_wait3A_173 = arith.constant 0 : i32
        %dma_wait3A_174 = tpu.memref_slice %arg12[%dma_wait3A_172, %dma_wait3A_173] : memref<79x128xi32, #tpu.memory_space<vmem>> -> memref<1x128xi32, #tpu.memory_space<vmem>>
        %dma_wait3A_175 = tpu.memref_squeeze %dma_wait3A_174 : memref<1x128xi32, #tpu.memory_space<vmem>> -> memref<128xi32, #tpu.memory_space<vmem>>
        %dma_wait3A_176 = arith.constant 0 : i32
        %dma_wait3A_177 = arith.constant 0 : i32
        %dma_wait3A_178 = tpu.memref_slice %arg2[%dma_wait3A_176, %dma_wait3A_177] : memref<10000x128xbf16, #tpu.memory_space<hbm>> -> memref<10000x128xbf16, #tpu.memory_space<hbm>>
        tpu.wait_indirect_dma semaphore(%arg20 : memref<!tpu.dma_semaphore, #tpu.memory_space<semaphore_mem>>) src(%dma_wait3A_178 : memref<10000x128xbf16, #tpu.memory_space<hbm>>) dst(%arg15 : memref<128x128xbf16, #tpu.memory_space<vmem>>)
        %dma_start3A_179 = arith.constant 0 : i32
        %dma_start3A_180 = tpu.memref_slice %arg13[%add3A_171, %dma_start3A_179] : memref<79x128xi32, #tpu.memory_space<vmem>> -> memref<1x128xi32, #tpu.memory_space<vmem>>
        %dma_start3A_181 = tpu.memref_squeeze %dma_start3A_180 : memref<1x128xi32, #tpu.memory_space<vmem>> -> memref<128xi32, #tpu.memory_space<vmem>>
        %dma_start3A_182 = arith.constant 0 : i32
        %dma_start3A_183 = arith.constant 0 : i32
        %dma_start3A_184 = tpu.memref_slice %arg10[%dma_start3A_182, %dma_start3A_183] : memref<10112x128xbf16, #tpu.memory_space<vmem_shared>> -> memref<10112x128xbf16, #tpu.memory_space<vmem_shared>>
        tpu.enqueue_indirect_dma source(%arg15 : memref<128x128xbf16, #tpu.memory_space<vmem>>) target(%dma_start3A_184 : memref<10112x128xbf16, #tpu.memory_space<vmem_shared>>) offsets(%dma_start3A_181 : memref<128xi32, #tpu.memory_space<vmem>>) semaphore(%arg24 : memref<!tpu.dma_semaphore, #tpu.memory_space<semaphore_mem>>) {add = true}
        %add3A_185 = arith.constant 3 : i32
        %add3A_186 = arith.addi %add3A_171, %add3A_185 : i32
        %lt3A_187 = arith.constant 79 : i32
        %lt3A_188 = arith.cmpi slt, %add3A_186, %lt3A_187 : i32
        %convert_element_type3A_189 = arith.extui %lt3A_188 : i1 to i32
        %cond3A_190 = arith.constant 0 : i32
        %cond3A_191 = arith.cmpi ne, %convert_element_type3A_189, %cond3A_190 : i32
        scf.if %cond3A_191 {
          %ge3A = arith.constant 1 : i32
          %ge3A_242 = arith.cmpi sge, %add3A_171, %ge3A : i32
          %convert_element_type3A_243 = arith.extui %ge3A_242 : i1 to i32
          %cond3A_244 = arith.constant 0 : i32
          %cond3A_245 = arith.cmpi ne, %convert_element_type3A_243, %cond3A_244 : i32
          scf.if %cond3A_245 {
            %dma_wait3A_254 = arith.constant 0 : i32
            %dma_wait3A_255 = arith.constant 0 : i32
            %dma_wait3A_256 = tpu.memref_slice %arg13[%dma_wait3A_254, %dma_wait3A_255] : memref<79x128xi32, #tpu.memory_space<vmem>> -> memref<1x128xi32, #tpu.memory_space<vmem>>
            %dma_wait3A_257 = tpu.memref_squeeze %dma_wait3A_256 : memref<1x128xi32, #tpu.memory_space<vmem>> -> memref<128xi32, #tpu.memory_space<vmem>>
            %dma_wait3A_258 = arith.constant 0 : i32
            %dma_wait3A_259 = arith.constant 0 : i32
            %dma_wait3A_260 = tpu.memref_slice %arg10[%dma_wait3A_258, %dma_wait3A_259] : memref<10112x128xbf16, #tpu.memory_space<vmem_shared>> -> memref<10112x128xbf16, #tpu.memory_space<vmem_shared>>
            tpu.wait_indirect_dma semaphore(%arg23 : memref<!tpu.dma_semaphore, #tpu.memory_space<semaphore_mem>>) src(%arg14 : memref<128x128xbf16, #tpu.memory_space<vmem>>) dst(%dma_wait3A_260 : memref<10112x128xbf16, #tpu.memory_space<vmem_shared>>)
            %dma_wait3A_261 = arith.constant 0 : i32
            %dma_wait3A_262 = arith.constant 0 : i32
            %dma_wait3A_263 = tpu.memref_slice %arg13[%dma_wait3A_261, %dma_wait3A_262] : memref<79x128xi32, #tpu.memory_space<vmem>> -> memref<1x128xi32, #tpu.memory_space<vmem>>
            %dma_wait3A_264 = tpu.memref_squeeze %dma_wait3A_263 : memref<1x128xi32, #tpu.memory_space<vmem>> -> memref<128xi32, #tpu.memory_space<vmem>>
            %dma_wait3A_265 = arith.constant 0 : i32
            %dma_wait3A_266 = arith.constant 0 : i32
            %dma_wait3A_267 = tpu.memref_slice %arg11[%dma_wait3A_265, %dma_wait3A_266] : memref<10112x16xf32, #tpu.memory_space<vmem_shared>> -> memref<10112x16xf32, #tpu.memory_space<vmem_shared>>
            tpu.wait_indirect_dma semaphore(%arg23 : memref<!tpu.dma_semaphore, #tpu.memory_space<semaphore_mem>>) src(%arg18 : memref<128x16xf32, #tpu.memory_space<vmem>>) dst(%dma_wait3A_267 : memref<10112x16xf32, #tpu.memory_space<vmem_shared>>)
          } else {
          }
          %add3A_246 = arith.constant 3 : i32
          %add3A_247 = arith.addi %add3A_171, %add3A_246 : i32
          %dma_start3A_248 = arith.constant 0 : i32
          %dma_start3A_249 = tpu.memref_slice %arg12[%add3A_247, %dma_start3A_248] : memref<79x128xi32, #tpu.memory_space<vmem>> -> memref<1x128xi32, #tpu.memory_space<vmem>>
          %dma_start3A_250 = tpu.memref_squeeze %dma_start3A_249 : memref<1x128xi32, #tpu.memory_space<vmem>> -> memref<128xi32, #tpu.memory_space<vmem>>
          %dma_start3A_251 = arith.constant 0 : i32
          %dma_start3A_252 = arith.constant 0 : i32
          %dma_start3A_253 = tpu.memref_slice %arg2[%dma_start3A_251, %dma_start3A_252] : memref<10000x128xbf16, #tpu.memory_space<hbm>> -> memref<10000x128xbf16, #tpu.memory_space<hbm>>
          tpu.enqueue_indirect_dma source(%dma_start3A_253 : memref<10000x128xbf16, #tpu.memory_space<hbm>>) target(%arg14 : memref<128x128xbf16, #tpu.memory_space<vmem>>) offsets(%dma_start3A_250 : memref<128xi32, #tpu.memory_space<vmem>>) semaphore(%arg19 : memref<!tpu.dma_semaphore, #tpu.memory_space<semaphore_mem>>)
        } else {
        }
        %add3A_192 = arith.constant 2 : i32
        %add3A_193 = arith.addi %mul3A_143, %add3A_192 : i32
        %dma_wait3A_194 = arith.constant 0 : i32
        %dma_wait3A_195 = arith.constant 0 : i32
        %dma_wait3A_196 = tpu.memref_slice %arg12[%dma_wait3A_194, %dma_wait3A_195] : memref<79x128xi32, #tpu.memory_space<vmem>> -> memref<1x128xi32, #tpu.memory_space<vmem>>
        %dma_wait3A_197 = tpu.memref_squeeze %dma_wait3A_196 : memref<1x128xi32, #tpu.memory_space<vmem>> -> memref<128xi32, #tpu.memory_space<vmem>>
        %dma_wait3A_198 = arith.constant 0 : i32
        %dma_wait3A_199 = arith.constant 0 : i32
        %dma_wait3A_200 = tpu.memref_slice %arg2[%dma_wait3A_198, %dma_wait3A_199] : memref<10000x128xbf16, #tpu.memory_space<hbm>> -> memref<10000x128xbf16, #tpu.memory_space<hbm>>
        tpu.wait_indirect_dma semaphore(%arg21 : memref<!tpu.dma_semaphore, #tpu.memory_space<semaphore_mem>>) src(%dma_wait3A_200 : memref<10000x128xbf16, #tpu.memory_space<hbm>>) dst(%arg16 : memref<128x128xbf16, #tpu.memory_space<vmem>>)
        %dma_start3A_201 = arith.constant 0 : i32
        %dma_start3A_202 = tpu.memref_slice %arg13[%add3A_193, %dma_start3A_201] : memref<79x128xi32, #tpu.memory_space<vmem>> -> memref<1x128xi32, #tpu.memory_space<vmem>>
        %dma_start3A_203 = tpu.memref_squeeze %dma_start3A_202 : memref<1x128xi32, #tpu.memory_space<vmem>> -> memref<128xi32, #tpu.memory_space<vmem>>
        %dma_start3A_204 = arith.constant 0 : i32
        %dma_start3A_205 = arith.constant 0 : i32
        %dma_start3A_206 = tpu.memref_slice %arg10[%dma_start3A_204, %dma_start3A_205] : memref<10112x128xbf16, #tpu.memory_space<vmem_shared>> -> memref<10112x128xbf16, #tpu.memory_space<vmem_shared>>
        tpu.enqueue_indirect_dma source(%arg16 : memref<128x128xbf16, #tpu.memory_space<vmem>>) target(%dma_start3A_206 : memref<10112x128xbf16, #tpu.memory_space<vmem_shared>>) offsets(%dma_start3A_203 : memref<128xi32, #tpu.memory_space<vmem>>) semaphore(%arg25 : memref<!tpu.dma_semaphore, #tpu.memory_space<semaphore_mem>>) {add = true}
        %dma_start3A_207 = arith.constant 0 : i32
        %dma_start3A_208 = tpu.memref_slice %arg13[%add3A_193, %dma_start3A_207] : memref<79x128xi32, #tpu.memory_space<vmem>> -> memref<1x128xi32, #tpu.memory_space<vmem>>
        %dma_start3A_209 = tpu.memref_squeeze %dma_start3A_208 : memref<1x128xi32, #tpu.memory_space<vmem>> -> memref<128xi32, #tpu.memory_space<vmem>>
        %dma_start3A_210 = arith.constant 0 : i32
        %dma_start3A_211 = arith.constant 0 : i32
        %dma_start3A_212 = tpu.memref_slice %arg11[%dma_start3A_210, %dma_start3A_211] : memref<10112x16xf32, #tpu.memory_space<vmem_shared>> -> memref<10112x16xf32, #tpu.memory_space<vmem_shared>>
        tpu.enqueue_indirect_dma source(%arg18 : memref<128x16xf32, #tpu.memory_space<vmem>>) target(%dma_start3A_212 : memref<10112x16xf32, #tpu.memory_space<vmem_shared>>) offsets(%dma_start3A_209 : memref<128xi32, #tpu.memory_space<vmem>>) semaphore(%arg25 : memref<!tpu.dma_semaphore, #tpu.memory_space<semaphore_mem>>) {add = true}
        %add3A_213 = arith.constant 3 : i32
        %add3A_214 = arith.addi %add3A_193, %add3A_213 : i32
        %lt3A_215 = arith.constant 79 : i32
        %lt3A_216 = arith.cmpi slt, %add3A_214, %lt3A_215 : i32
        %convert_element_type3A_217 = arith.extui %lt3A_216 : i1 to i32
        %cond3A_218 = arith.constant 0 : i32
        %cond3A_219 = arith.cmpi ne, %convert_element_type3A_217, %cond3A_218 : i32
        scf.if %cond3A_219 {
          %ge3A = arith.constant 1 : i32
          %ge3A_242 = arith.cmpi sge, %add3A_193, %ge3A : i32
          %convert_element_type3A_243 = arith.extui %ge3A_242 : i1 to i32
          %cond3A_244 = arith.constant 0 : i32
          %cond3A_245 = arith.cmpi ne, %convert_element_type3A_243, %cond3A_244 : i32
          scf.if %cond3A_245 {
            %dma_wait3A_254 = arith.constant 0 : i32
            %dma_wait3A_255 = arith.constant 0 : i32
            %dma_wait3A_256 = tpu.memref_slice %arg13[%dma_wait3A_254, %dma_wait3A_255] : memref<79x128xi32, #tpu.memory_space<vmem>> -> memref<1x128xi32, #tpu.memory_space<vmem>>
            %dma_wait3A_257 = tpu.memref_squeeze %dma_wait3A_256 : memref<1x128xi32, #tpu.memory_space<vmem>> -> memref<128xi32, #tpu.memory_space<vmem>>
            %dma_wait3A_258 = arith.constant 0 : i32
            %dma_wait3A_259 = arith.constant 0 : i32
            %dma_wait3A_260 = tpu.memref_slice %arg10[%dma_wait3A_258, %dma_wait3A_259] : memref<10112x128xbf16, #tpu.memory_space<vmem_shared>> -> memref<10112x128xbf16, #tpu.memory_space<vmem_shared>>
            tpu.wait_indirect_dma semaphore(%arg24 : memref<!tpu.dma_semaphore, #tpu.memory_space<semaphore_mem>>) src(%arg15 : memref<128x128xbf16, #tpu.memory_space<vmem>>) dst(%dma_wait3A_260 : memref<10112x128xbf16, #tpu.memory_space<vmem_shared>>)
          } else {
          }
          %add3A_246 = arith.constant 3 : i32
          %add3A_247 = arith.addi %add3A_193, %add3A_246 : i32
          %dma_start3A_248 = arith.constant 0 : i32
          %dma_start3A_249 = tpu.memref_slice %arg12[%add3A_247, %dma_start3A_248] : memref<79x128xi32, #tpu.memory_space<vmem>> -> memref<1x128xi32, #tpu.memory_space<vmem>>
          %dma_start3A_250 = tpu.memref_squeeze %dma_start3A_249 : memref<1x128xi32, #tpu.memory_space<vmem>> -> memref<128xi32, #tpu.memory_space<vmem>>
          %dma_start3A_251 = arith.constant 0 : i32
          %dma_start3A_252 = arith.constant 0 : i32
          %dma_start3A_253 = tpu.memref_slice %arg2[%dma_start3A_251, %dma_start3A_252] : memref<10000x128xbf16, #tpu.memory_space<hbm>> -> memref<10000x128xbf16, #tpu.memory_space<hbm>>
          tpu.enqueue_indirect_dma source(%dma_start3A_253 : memref<10000x128xbf16, #tpu.memory_space<hbm>>) target(%arg15 : memref<128x128xbf16, #tpu.memory_space<vmem>>) offsets(%dma_start3A_250 : memref<128xi32, #tpu.memory_space<vmem>>) semaphore(%arg20 : memref<!tpu.dma_semaphore, #tpu.memory_space<semaphore_mem>>)
        } else {
        }
        %add3A_220 = arith.constant 3 : i32
        %add3A_221 = arith.addi %mul3A_143, %add3A_220 : i32
        %dma_wait3A_222 = arith.constant 0 : i32
        %dma_wait3A_223 = arith.constant 0 : i32
        %dma_wait3A_224 = tpu.memref_slice %arg12[%dma_wait3A_222, %dma_wait3A_223] : memref<79x128xi32, #tpu.memory_space<vmem>> -> memref<1x128xi32, #tpu.memory_space<vmem>>
        %dma_wait3A_225 = tpu.memref_squeeze %dma_wait3A_224 : memref<1x128xi32, #tpu.memory_space<vmem>> -> memref<128xi32, #tpu.memory_space<vmem>>
        %dma_wait3A_226 = arith.constant 0 : i32
        %dma_wait3A_227 = arith.constant 0 : i32
        %dma_wait3A_228 = tpu.memref_slice %arg2[%dma_wait3A_226, %dma_wait3A_227] : memref<10000x128xbf16, #tpu.memory_space<hbm>> -> memref<10000x128xbf16, #tpu.memory_space<hbm>>
        tpu.wait_indirect_dma semaphore(%arg22 : memref<!tpu.dma_semaphore, #tpu.memory_space<semaphore_mem>>) src(%dma_wait3A_228 : memref<10000x128xbf16, #tpu.memory_space<hbm>>) dst(%arg17 : memref<128x128xbf16, #tpu.memory_space<vmem>>)
        %dma_start3A_229 = arith.constant 0 : i32
        %dma_start3A_230 = tpu.memref_slice %arg13[%add3A_221, %dma_start3A_229] : memref<79x128xi32, #tpu.memory_space<vmem>> -> memref<1x128xi32, #tpu.memory_space<vmem>>
        %dma_start3A_231 = tpu.memref_squeeze %dma_start3A_230 : memref<1x128xi32, #tpu.memory_space<vmem>> -> memref<128xi32, #tpu.memory_space<vmem>>
        %dma_start3A_232 = arith.constant 0 : i32
        %dma_start3A_233 = arith.constant 0 : i32
        %dma_start3A_234 = tpu.memref_slice %arg10[%dma_start3A_232, %dma_start3A_233] : memref<10112x128xbf16, #tpu.memory_space<vmem_shared>> -> memref<10112x128xbf16, #tpu.memory_space<vmem_shared>>
        tpu.enqueue_indirect_dma source(%arg17 : memref<128x128xbf16, #tpu.memory_space<vmem>>) target(%dma_start3A_234 : memref<10112x128xbf16, #tpu.memory_space<vmem_shared>>) offsets(%dma_start3A_231 : memref<128xi32, #tpu.memory_space<vmem>>) semaphore(%arg26 : memref<!tpu.dma_semaphore, #tpu.memory_space<semaphore_mem>>) {add = true}
        %add3A_235 = arith.constant 3 : i32
        %add3A_236 = arith.addi %add3A_221, %add3A_235 : i32
        %lt3A_237 = arith.constant 79 : i32
        %lt3A_238 = arith.cmpi slt, %add3A_236, %lt3A_237 : i32
        %convert_element_type3A_239 = arith.extui %lt3A_238 : i1 to i32
        %cond3A_240 = arith.constant 0 : i32
        %cond3A_241 = arith.cmpi ne, %convert_element_type3A_239, %cond3A_240 : i32
        scf.if %cond3A_241 {
          %ge3A = arith.constant 1 : i32
          %ge3A_242 = arith.cmpi sge, %add3A_221, %ge3A : i32
          %convert_element_type3A_243 = arith.extui %ge3A_242 : i1 to i32
          %cond3A_244 = arith.constant 0 : i32
          %cond3A_245 = arith.cmpi ne, %convert_element_type3A_243, %cond3A_244 : i32
          scf.if %cond3A_245 {
            %dma_wait3A_254 = arith.constant 0 : i32
            %dma_wait3A_255 = arith.constant 0 : i32
            %dma_wait3A_256 = tpu.memref_slice %arg13[%dma_wait3A_254, %dma_wait3A_255] : memref<79x128xi32, #tpu.memory_space<vmem>> -> memref<1x128xi32, #tpu.memory_space<vmem>>
            %dma_wait3A_257 = tpu.memref_squeeze %dma_wait3A_256 : memref<1x128xi32, #tpu.memory_space<vmem>> -> memref<128xi32, #tpu.memory_space<vmem>>
            %dma_wait3A_258 = arith.constant 0 : i32
            %dma_wait3A_259 = arith.constant 0 : i32
            %dma_wait3A_260 = tpu.memref_slice %arg10[%dma_wait3A_258, %dma_wait3A_259] : memref<10112x128xbf16, #tpu.memory_space<vmem_shared>> -> memref<10112x128xbf16, #tpu.memory_space<vmem_shared>>
            tpu.wait_indirect_dma semaphore(%arg25 : memref<!tpu.dma_semaphore, #tpu.memory_space<semaphore_mem>>) src(%arg16 : memref<128x128xbf16, #tpu.memory_space<vmem>>) dst(%dma_wait3A_260 : memref<10112x128xbf16, #tpu.memory_space<vmem_shared>>)
            %dma_wait3A_261 = arith.constant 0 : i32
            %dma_wait3A_262 = arith.constant 0 : i32
            %dma_wait3A_263 = tpu.memref_slice %arg13[%dma_wait3A_261, %dma_wait3A_262] : memref<79x128xi32, #tpu.memory_space<vmem>> -> memref<1x128xi32, #tpu.memory_space<vmem>>
            %dma_wait3A_264 = tpu.memref_squeeze %dma_wait3A_263 : memref<1x128xi32, #tpu.memory_space<vmem>> -> memref<128xi32, #tpu.memory_space<vmem>>
            %dma_wait3A_265 = arith.constant 0 : i32
            %dma_wait3A_266 = arith.constant 0 : i32
            %dma_wait3A_267 = tpu.memref_slice %arg11[%dma_wait3A_265, %dma_wait3A_266] : memref<10112x16xf32, #tpu.memory_space<vmem_shared>> -> memref<10112x16xf32, #tpu.memory_space<vmem_shared>>
            tpu.wait_indirect_dma semaphore(%arg25 : memref<!tpu.dma_semaphore, #tpu.memory_space<semaphore_mem>>) src(%arg18 : memref<128x16xf32, #tpu.memory_space<vmem>>) dst(%dma_wait3A_267 : memref<10112x16xf32, #tpu.memory_space<vmem_shared>>)
          } else {
          }
          %add3A_246 = arith.constant 3 : i32
          %add3A_247 = arith.addi %add3A_221, %add3A_246 : i32
          %dma_start3A_248 = arith.constant 0 : i32
          %dma_start3A_249 = tpu.memref_slice %arg12[%add3A_247, %dma_start3A_248] : memref<79x128xi32, #tpu.memory_space<vmem>> -> memref<1x128xi32, #tpu.memory_space<vmem>>
          %dma_start3A_250 = tpu.memref_squeeze %dma_start3A_249 : memref<1x128xi32, #tpu.memory_space<vmem>> -> memref<128xi32, #tpu.memory_space<vmem>>
          %dma_start3A_251 = arith.constant 0 : i32
          %dma_start3A_252 = arith.constant 0 : i32
          %dma_start3A_253 = tpu.memref_slice %arg2[%dma_start3A_251, %dma_start3A_252] : memref<10000x128xbf16, #tpu.memory_space<hbm>> -> memref<10000x128xbf16, #tpu.memory_space<hbm>>
          tpu.enqueue_indirect_dma source(%dma_start3A_253 : memref<10000x128xbf16, #tpu.memory_space<hbm>>) target(%arg16 : memref<128x128xbf16, #tpu.memory_space<vmem>>) offsets(%dma_start3A_250 : memref<128xi32, #tpu.memory_space<vmem>>) semaphore(%arg21 : memref<!tpu.dma_semaphore, #tpu.memory_space<semaphore_mem>>)
        } else {
        }
      }
      %scan3A_43 = arith.constant 19 : i32
      %dma_wait3A = arith.constant 0 : i32
      %dma_wait3A_44 = arith.constant 0 : i32
      %dma_wait3A_45 = tpu.memref_slice %arg12[%dma_wait3A, %dma_wait3A_44] : memref<79x128xi32, #tpu.memory_space<vmem>> -> memref<1x128xi32, #tpu.memory_space<vmem>>
      %dma_wait3A_46 = tpu.memref_squeeze %dma_wait3A_45 : memref<1x128xi32, #tpu.memory_space<vmem>> -> memref<128xi32, #tpu.memory_space<vmem>>
      %dma_wait3A_47 = arith.constant 0 : i32
      %dma_wait3A_48 = arith.constant 0 : i32
      %dma_wait3A_49 = tpu.memref_slice %arg2[%dma_wait3A_47, %dma_wait3A_48] : memref<10000x128xbf16, #tpu.memory_space<hbm>> -> memref<10000x128xbf16, #tpu.memory_space<hbm>>
      tpu.wait_indirect_dma semaphore(%arg19 : memref<!tpu.dma_semaphore, #tpu.memory_space<semaphore_mem>>) src(%dma_wait3A_49 : memref<10000x128xbf16, #tpu.memory_space<hbm>>) dst(%arg14 : memref<128x128xbf16, #tpu.memory_space<vmem>>)
      %dma_start3A_50 = arith.constant 76 : i32
      %dma_start3A_51 = arith.constant 0 : i32
      %dma_start3A_52 = tpu.memref_slice %arg13[%dma_start3A_50, %dma_start3A_51] : memref<79x128xi32, #tpu.memory_space<vmem>> -> memref<1x128xi32, #tpu.memory_space<vmem>>
      %dma_start3A_53 = tpu.memref_squeeze %dma_start3A_52 : memref<1x128xi32, #tpu.memory_space<vmem>> -> memref<128xi32, #tpu.memory_space<vmem>>
      %dma_start3A_54 = arith.constant 0 : i32
      %dma_start3A_55 = arith.constant 0 : i32
      %dma_start3A_56 = tpu.memref_slice %arg10[%dma_start3A_54, %dma_start3A_55] : memref<10112x128xbf16, #tpu.memory_space<vmem_shared>> -> memref<10112x128xbf16, #tpu.memory_space<vmem_shared>>
      tpu.enqueue_indirect_dma source(%arg14 : memref<128x128xbf16, #tpu.memory_space<vmem>>) target(%dma_start3A_56 : memref<10112x128xbf16, #tpu.memory_space<vmem_shared>>) offsets(%dma_start3A_53 : memref<128xi32, #tpu.memory_space<vmem>>) semaphore(%arg23 : memref<!tpu.dma_semaphore, #tpu.memory_space<semaphore_mem>>) {add = true}
      %dma_start3A_57 = arith.constant 76 : i32
      %dma_start3A_58 = arith.constant 0 : i32
      %dma_start3A_59 = tpu.memref_slice %arg13[%dma_start3A_57, %dma_start3A_58] : memref<79x128xi32, #tpu.memory_space<vmem>> -> memref<1x128xi32, #tpu.memory_space<vmem>>
      %dma_start3A_60 = tpu.memref_squeeze %dma_start3A_59 : memref<1x128xi32, #tpu.memory_space<vmem>> -> memref<128xi32, #tpu.memory_space<vmem>>
      %dma_start3A_61 = arith.constant 0 : i32
      %dma_start3A_62 = arith.constant 0 : i32
      %dma_start3A_63 = tpu.memref_slice %arg11[%dma_start3A_61, %dma_start3A_62] : memref<10112x16xf32, #tpu.memory_space<vmem_shared>> -> memref<10112x16xf32, #tpu.memory_space<vmem_shared>>
      tpu.enqueue_indirect_dma source(%arg18 : memref<128x16xf32, #tpu.memory_space<vmem>>) target(%dma_start3A_63 : memref<10112x16xf32, #tpu.memory_space<vmem_shared>>) offsets(%dma_start3A_60 : memref<128xi32, #tpu.memory_space<vmem>>) semaphore(%arg23 : memref<!tpu.dma_semaphore, #tpu.memory_space<semaphore_mem>>) {add = true}
      %dma_wait3A_64 = arith.constant 0 : i32
      %dma_wait3A_65 = arith.constant 0 : i32
      %dma_wait3A_66 = tpu.memref_slice %arg12[%dma_wait3A_64, %dma_wait3A_65] : memref<79x128xi32, #tpu.memory_space<vmem>> -> memref<1x128xi32, #tpu.memory_space<vmem>>
      %dma_wait3A_67 = tpu.memref_squeeze %dma_wait3A_66 : memref<1x128xi32, #tpu.memory_space<vmem>> -> memref<128xi32, #tpu.memory_space<vmem>>
      %dma_wait3A_68 = arith.constant 0 : i32
      %dma_wait3A_69 = arith.constant 0 : i32
      %dma_wait3A_70 = tpu.memref_slice %arg2[%dma_wait3A_68, %dma_wait3A_69] : memref<10000x128xbf16, #tpu.memory_space<hbm>> -> memref<10000x128xbf16, #tpu.memory_space<hbm>>
      tpu.wait_indirect_dma semaphore(%arg20 : memref<!tpu.dma_semaphore, #tpu.memory_space<semaphore_mem>>) src(%dma_wait3A_70 : memref<10000x128xbf16, #tpu.memory_space<hbm>>) dst(%arg15 : memref<128x128xbf16, #tpu.memory_space<vmem>>)
      %dma_start3A_71 = arith.constant 77 : i32
      %dma_start3A_72 = arith.constant 0 : i32
      %dma_start3A_73 = tpu.memref_slice %arg13[%dma_start3A_71, %dma_start3A_72] : memref<79x128xi32, #tpu.memory_space<vmem>> -> memref<1x128xi32, #tpu.memory_space<vmem>>
      %dma_start3A_74 = tpu.memref_squeeze %dma_start3A_73 : memref<1x128xi32, #tpu.memory_space<vmem>> -> memref<128xi32, #tpu.memory_space<vmem>>
      %dma_start3A_75 = arith.constant 0 : i32
      %dma_start3A_76 = arith.constant 0 : i32
      %dma_start3A_77 = tpu.memref_slice %arg10[%dma_start3A_75, %dma_start3A_76] : memref<10112x128xbf16, #tpu.memory_space<vmem_shared>> -> memref<10112x128xbf16, #tpu.memory_space<vmem_shared>>
      tpu.enqueue_indirect_dma source(%arg15 : memref<128x128xbf16, #tpu.memory_space<vmem>>) target(%dma_start3A_77 : memref<10112x128xbf16, #tpu.memory_space<vmem_shared>>) offsets(%dma_start3A_74 : memref<128xi32, #tpu.memory_space<vmem>>) semaphore(%arg24 : memref<!tpu.dma_semaphore, #tpu.memory_space<semaphore_mem>>) {add = true}
      %dma_wait3A_78 = arith.constant 0 : i32
      %dma_wait3A_79 = arith.constant 0 : i32
      %dma_wait3A_80 = tpu.memref_slice %arg12[%dma_wait3A_78, %dma_wait3A_79] : memref<79x128xi32, #tpu.memory_space<vmem>> -> memref<1x128xi32, #tpu.memory_space<vmem>>
      %dma_wait3A_81 = tpu.memref_squeeze %dma_wait3A_80 : memref<1x128xi32, #tpu.memory_space<vmem>> -> memref<128xi32, #tpu.memory_space<vmem>>
      %dma_wait3A_82 = arith.constant 0 : i32
      %dma_wait3A_83 = arith.constant 0 : i32
      %dma_wait3A_84 = tpu.memref_slice %arg2[%dma_wait3A_82, %dma_wait3A_83] : memref<10000x128xbf16, #tpu.memory_space<hbm>> -> memref<10000x128xbf16, #tpu.memory_space<hbm>>
      tpu.wait_indirect_dma semaphore(%arg21 : memref<!tpu.dma_semaphore, #tpu.memory_space<semaphore_mem>>) src(%dma_wait3A_84 : memref<10000x128xbf16, #tpu.memory_space<hbm>>) dst(%arg16 : memref<128x128xbf16, #tpu.memory_space<vmem>>)
      %dma_start3A_85 = arith.constant 78 : i32
      %dma_start3A_86 = arith.constant 0 : i32
      %dma_start3A_87 = tpu.memref_slice %arg13[%dma_start3A_85, %dma_start3A_86] : memref<79x128xi32, #tpu.memory_space<vmem>> -> memref<1x128xi32, #tpu.memory_space<vmem>>
      %dma_start3A_88 = tpu.memref_squeeze %dma_start3A_87 : memref<1x128xi32, #tpu.memory_space<vmem>> -> memref<128xi32, #tpu.memory_space<vmem>>
      %dma_start3A_89 = arith.constant 0 : i32
      %dma_start3A_90 = arith.constant 0 : i32
      %dma_start3A_91 = tpu.memref_slice %arg10[%dma_start3A_89, %dma_start3A_90] : memref<10112x128xbf16, #tpu.memory_space<vmem_shared>> -> memref<10112x128xbf16, #tpu.memory_space<vmem_shared>>
      tpu.enqueue_indirect_dma source(%arg16 : memref<128x128xbf16, #tpu.memory_space<vmem>>) target(%dma_start3A_91 : memref<10112x128xbf16, #tpu.memory_space<vmem_shared>>) offsets(%dma_start3A_88 : memref<128xi32, #tpu.memory_space<vmem>>) semaphore(%arg25 : memref<!tpu.dma_semaphore, #tpu.memory_space<semaphore_mem>>) {add = true}
      %dma_start3A_92 = arith.constant 78 : i32
      %dma_start3A_93 = arith.constant 0 : i32
      %dma_start3A_94 = tpu.memref_slice %arg13[%dma_start3A_92, %dma_start3A_93] : memref<79x128xi32, #tpu.memory_space<vmem>> -> memref<1x128xi32, #tpu.memory_space<vmem>>
      %dma_start3A_95 = tpu.memref_squeeze %dma_start3A_94 : memref<1x128xi32, #tpu.memory_space<vmem>> -> memref<128xi32, #tpu.memory_space<vmem>>
      %dma_start3A_96 = arith.constant 0 : i32
      %dma_start3A_97 = arith.constant 0 : i32
      %dma_start3A_98 = tpu.memref_slice %arg11[%dma_start3A_96, %dma_start3A_97] : memref<10112x16xf32, #tpu.memory_space<vmem_shared>> -> memref<10112x16xf32, #tpu.memory_space<vmem_shared>>
      tpu.enqueue_indirect_dma source(%arg18 : memref<128x16xf32, #tpu.memory_space<vmem>>) target(%dma_start3A_98 : memref<10112x16xf32, #tpu.memory_space<vmem_shared>>) offsets(%dma_start3A_95 : memref<128xi32, #tpu.memory_space<vmem>>) semaphore(%arg25 : memref<!tpu.dma_semaphore, #tpu.memory_space<semaphore_mem>>) {add = true}
      %dma_wait3A_99 = arith.constant 0 : i32
      %dma_wait3A_100 = arith.constant 0 : i32
      %dma_wait3A_101 = tpu.memref_slice %arg13[%dma_wait3A_99, %dma_wait3A_100] : memref<79x128xi32, #tpu.memory_space<vmem>> -> memref<1x128xi32, #tpu.memory_space<vmem>>
      %dma_wait3A_102 = tpu.memref_squeeze %dma_wait3A_101 : memref<1x128xi32, #tpu.memory_space<vmem>> -> memref<128xi32, #tpu.memory_space<vmem>>
      %dma_wait3A_103 = arith.constant 0 : i32
      %dma_wait3A_104 = arith.constant 0 : i32
      %dma_wait3A_105 = tpu.memref_slice %arg10[%dma_wait3A_103, %dma_wait3A_104] : memref<10112x128xbf16, #tpu.memory_space<vmem_shared>> -> memref<10112x128xbf16, #tpu.memory_space<vmem_shared>>
      tpu.wait_indirect_dma semaphore(%arg26 : memref<!tpu.dma_semaphore, #tpu.memory_space<semaphore_mem>>) src(%arg17 : memref<128x128xbf16, #tpu.memory_space<vmem>>) dst(%dma_wait3A_105 : memref<10112x128xbf16, #tpu.memory_space<vmem_shared>>)
      %dma_wait3A_106 = arith.constant 0 : i32
      %dma_wait3A_107 = arith.constant 0 : i32
      %dma_wait3A_108 = tpu.memref_slice %arg13[%dma_wait3A_106, %dma_wait3A_107] : memref<79x128xi32, #tpu.memory_space<vmem>> -> memref<1x128xi32, #tpu.memory_space<vmem>>
      %dma_wait3A_109 = tpu.memref_squeeze %dma_wait3A_108 : memref<1x128xi32, #tpu.memory_space<vmem>> -> memref<128xi32, #tpu.memory_space<vmem>>
      %dma_wait3A_110 = arith.constant 0 : i32
      %dma_wait3A_111 = arith.constant 0 : i32
      %dma_wait3A_112 = tpu.memref_slice %arg10[%dma_wait3A_110, %dma_wait3A_111] : memref<10112x128xbf16, #tpu.memory_space<vmem_shared>> -> memref<10112x128xbf16, #tpu.memory_space<vmem_shared>>
      tpu.wait_indirect_dma semaphore(%arg23 : memref<!tpu.dma_semaphore, #tpu.memory_space<semaphore_mem>>) src(%arg14 : memref<128x128xbf16, #tpu.memory_space<vmem>>) dst(%dma_wait3A_112 : memref<10112x128xbf16, #tpu.memory_space<vmem_shared>>)
      %dma_wait3A_113 = arith.constant 0 : i32
      %dma_wait3A_114 = arith.constant 0 : i32
      %dma_wait3A_115 = tpu.memref_slice %arg13[%dma_wait3A_113, %dma_wait3A_114] : memref<79x128xi32, #tpu.memory_space<vmem>> -> memref<1x128xi32, #tpu.memory_space<vmem>>
      %dma_wait3A_116 = tpu.memref_squeeze %dma_wait3A_115 : memref<1x128xi32, #tpu.memory_space<vmem>> -> memref<128xi32, #tpu.memory_space<vmem>>
      %dma_wait3A_117 = arith.constant 0 : i32
      %dma_wait3A_118 = arith.constant 0 : i32
      %dma_wait3A_119 = tpu.memref_slice %arg11[%dma_wait3A_117, %dma_wait3A_118] : memref<10112x16xf32, #tpu.memory_space<vmem_shared>> -> memref<10112x16xf32, #tpu.memory_space<vmem_shared>>
      tpu.wait_indirect_dma semaphore(%arg23 : memref<!tpu.dma_semaphore, #tpu.memory_space<semaphore_mem>>) src(%arg18 : memref<128x16xf32, #tpu.memory_space<vmem>>) dst(%dma_wait3A_119 : memref<10112x16xf32, #tpu.memory_space<vmem_shared>>)
      %dma_wait3A_120 = arith.constant 0 : i32
      %dma_wait3A_121 = arith.constant 0 : i32
      %dma_wait3A_122 = tpu.memref_slice %arg13[%dma_wait3A_120, %dma_wait3A_121] : memref<79x128xi32, #tpu.memory_space<vmem>> -> memref<1x128xi32, #tpu.memory_space<vmem>>
      %dma_wait3A_123 = tpu.memref_squeeze %dma_wait3A_122 : memref<1x128xi32, #tpu.memory_space<vmem>> -> memref<128xi32, #tpu.memory_space<vmem>>
      %dma_wait3A_124 = arith.constant 0 : i32
      %dma_wait3A_125 = arith.constant 0 : i32
      %dma_wait3A_126 = tpu.memref_slice %arg10[%dma_wait3A_124, %dma_wait3A_125] : memref<10112x128xbf16, #tpu.memory_space<vmem_shared>> -> memref<10112x128xbf16, #tpu.memory_space<vmem_shared>>
      tpu.wait_indirect_dma semaphore(%arg24 : memref<!tpu.dma_semaphore, #tpu.memory_space<semaphore_mem>>) src(%arg15 : memref<128x128xbf16, #tpu.memory_space<vmem>>) dst(%dma_wait3A_126 : memref<10112x128xbf16, #tpu.memory_space<vmem_shared>>)
      %dma_wait3A_127 = arith.constant 0 : i32
      %dma_wait3A_128 = arith.constant 0 : i32
      %dma_wait3A_129 = tpu.memref_slice %arg13[%dma_wait3A_127, %dma_wait3A_128] : memref<79x128xi32, #tpu.memory_space<vmem>> -> memref<1x128xi32, #tpu.memory_space<vmem>>
      %dma_wait3A_130 = tpu.memref_squeeze %dma_wait3A_129 : memref<1x128xi32, #tpu.memory_space<vmem>> -> memref<128xi32, #tpu.memory_space<vmem>>
      %dma_wait3A_131 = arith.constant 0 : i32
      %dma_wait3A_132 = arith.constant 0 : i32
      %dma_wait3A_133 = tpu.memref_slice %arg10[%dma_wait3A_131, %dma_wait3A_132] : memref<10112x128xbf16, #tpu.memory_space<vmem_shared>> -> memref<10112x128xbf16, #tpu.memory_space<vmem_shared>>
      tpu.wait_indirect_dma semaphore(%arg25 : memref<!tpu.dma_semaphore, #tpu.memory_space<semaphore_mem>>) src(%arg16 : memref<128x128xbf16, #tpu.memory_space<vmem>>) dst(%dma_wait3A_133 : memref<10112x128xbf16, #tpu.memory_space<vmem_shared>>)
      %dma_wait3A_134 = arith.constant 0 : i32
      %dma_wait3A_135 = arith.constant 0 : i32
      %dma_wait3A_136 = tpu.memref_slice %arg13[%dma_wait3A_134, %dma_wait3A_135] : memref<79x128xi32, #tpu.memory_space<vmem>> -> memref<1x128xi32, #tpu.memory_space<vmem>>
      %dma_wait3A_137 = tpu.memref_squeeze %dma_wait3A_136 : memref<1x128xi32, #tpu.memory_space<vmem>> -> memref<128xi32, #tpu.memory_space<vmem>>
      %dma_wait3A_138 = arith.constant 0 : i32
      %dma_wait3A_139 = arith.constant 0 : i32
      %dma_wait3A_140 = tpu.memref_slice %arg11[%dma_wait3A_138, %dma_wait3A_139] : memref<10112x16xf32, #tpu.memory_space<vmem_shared>> -> memref<10112x16xf32, #tpu.memory_space<vmem_shared>>
      tpu.wait_indirect_dma semaphore(%arg25 : memref<!tpu.dma_semaphore, #tpu.memory_space<semaphore_mem>>) src(%arg18 : memref<128x16xf32, #tpu.memory_space<vmem>>) dst(%dma_wait3A_140 : memref<10112x16xf32, #tpu.memory_space<vmem_shared>>)
    } else {
    }
    %eq3A_13 = arith.constant 1 : i32
    %eq3A_14 = arith.cmpi eq, %arg0, %eq3A_13 : i32
    %convert_element_type3A_15 = arith.extui %eq3A_14 : i1 to i32
    %cond3A_16 = arith.constant 0 : i32
    %cond3A_17 = arith.cmpi ne, %convert_element_type3A_15, %cond3A_16 : i32
    scf.if %cond3A_17 {
      %dma_start3A = arith.constant 0 : i32
      %dma_start3A_19 = arith.constant 0 : i32
      %dma_start3A_20 = tpu.memref_slice %arg12[%dma_start3A, %dma_start3A_19] : memref<79x128xi32, #tpu.memory_space<vmem>> -> memref<1x128xi32, #tpu.memory_space<vmem>>
      %dma_start3A_21 = tpu.memref_squeeze %dma_start3A_20 : memref<1x128xi32, #tpu.memory_space<vmem>> -> memref<128xi32, #tpu.memory_space<vmem>>
      %dma_start3A_22 = arith.constant 0 : i32
      %dma_start3A_23 = arith.constant 0 : i32
      %dma_start3A_24 = tpu.memref_slice %arg3[%dma_start3A_22, %dma_start3A_23] : memref<10000x128xbf16, #tpu.memory_space<hbm>> -> memref<10000x128xbf16, #tpu.memory_space<hbm>>
      tpu.enqueue_indirect_dma source(%dma_start3A_24 : memref<10000x128xbf16, #tpu.memory_space<hbm>>) target(%arg14 : memref<128x128xbf16, #tpu.memory_space<vmem>>) offsets(%dma_start3A_21 : memref<128xi32, #tpu.memory_space<vmem>>) semaphore(%arg19 : memref<!tpu.dma_semaphore, #tpu.memory_space<semaphore_mem>>)
      %dma_start3A_25 = arith.constant 1 : i32
      %dma_start3A_26 = arith.constant 0 : i32
      %dma_start3A_27 = tpu.memref_slice %arg12[%dma_start3A_25, %dma_start3A_26] : memref<79x128xi32, #tpu.memory_space<vmem>> -> memref<1x128xi32, #tpu.memory_space<vmem>>
      %dma_start3A_28 = tpu.memref_squeeze %dma_start3A_27 : memref<1x128xi32, #tpu.memory_space<vmem>> -> memref<128xi32, #tpu.memory_space<vmem>>
      %dma_start3A_29 = arith.constant 0 : i32
      %dma_start3A_30 = arith.constant 0 : i32
      %dma_start3A_31 = tpu.memref_slice %arg3[%dma_start3A_29, %dma_start3A_30] : memref<10000x128xbf16, #tpu.memory_space<hbm>> -> memref<10000x128xbf16, #tpu.memory_space<hbm>>
      tpu.enqueue_indirect_dma source(%dma_start3A_31 : memref<10000x128xbf16, #tpu.memory_space<hbm>>) target(%arg15 : memref<128x128xbf16, #tpu.memory_space<vmem>>) offsets(%dma_start3A_28 : memref<128xi32, #tpu.memory_space<vmem>>) semaphore(%arg20 : memref<!tpu.dma_semaphore, #tpu.memory_space<semaphore_mem>>)
      %dma_start3A_32 = arith.constant 2 : i32
      %dma_start3A_33 = arith.constant 0 : i32
      %dma_start3A_34 = tpu.memref_slice %arg12[%dma_start3A_32, %dma_start3A_33] : memref<79x128xi32, #tpu.memory_space<vmem>> -> memref<1x128xi32, #tpu.memory_space<vmem>>
      %dma_start3A_35 = tpu.memref_squeeze %dma_start3A_34 : memref<1x128xi32, #tpu.memory_space<vmem>> -> memref<128xi32, #tpu.memory_space<vmem>>
      %dma_start3A_36 = arith.constant 0 : i32
      %dma_start3A_37 = arith.constant 0 : i32
      %dma_start3A_38 = tpu.memref_slice %arg3[%dma_start3A_36, %dma_start3A_37] : memref<10000x128xbf16, #tpu.memory_space<hbm>> -> memref<10000x128xbf16, #tpu.memory_space<hbm>>
      tpu.enqueue_indirect_dma source(%dma_start3A_38 : memref<10000x128xbf16, #tpu.memory_space<hbm>>) target(%arg16 : memref<128x128xbf16, #tpu.memory_space<vmem>>) offsets(%dma_start3A_35 : memref<128xi32, #tpu.memory_space<vmem>>) semaphore(%arg21 : memref<!tpu.dma_semaphore, #tpu.memory_space<semaphore_mem>>)
      %scan3A = arith.constant 0 : i32
      %scan3A_39 = arith.constant 0 : i32
      %scan3A_40 = arith.constant 19 : i32
      %scan3A_41 = arith.addi %scan3A_39, %scan3A_40 : i32
      %scan3A_42 = arith.constant 1 : i32
      scf.for %scan3A_134 = %scan3A_39 to %scan3A_41 step %scan3A_42  : i32 {
        %mul3A_135 = arith.constant 4 : i32
        %mul3A_136 = arith.muli %mul3A_135, %scan3A_134 : i32
        %add3A = arith.constant 0 : i32
        %add3A_137 = arith.addi %mul3A_136, %add3A : i32
        %dma_wait3A_138 = arith.constant 0 : i32
        %dma_wait3A_139 = arith.constant 0 : i32
        %dma_wait3A_140 = tpu.memref_slice %arg12[%dma_wait3A_138, %dma_wait3A_139] : memref<79x128xi32, #tpu.memory_space<vmem>> -> memref<1x128xi32, #tpu.memory_space<vmem>>
        %dma_wait3A_141 = tpu.memref_squeeze %dma_wait3A_140 : memref<1x128xi32, #tpu.memory_space<vmem>> -> memref<128xi32, #tpu.memory_space<vmem>>
        %dma_wait3A_142 = arith.constant 0 : i32
        %dma_wait3A_143 = arith.constant 0 : i32
        %dma_wait3A_144 = tpu.memref_slice %arg3[%dma_wait3A_142, %dma_wait3A_143] : memref<10000x128xbf16, #tpu.memory_space<hbm>> -> memref<10000x128xbf16, #tpu.memory_space<hbm>>
        tpu.wait_indirect_dma semaphore(%arg19 : memref<!tpu.dma_semaphore, #tpu.memory_space<semaphore_mem>>) src(%dma_wait3A_144 : memref<10000x128xbf16, #tpu.memory_space<hbm>>) dst(%arg14 : memref<128x128xbf16, #tpu.memory_space<vmem>>)
        %dma_start3A_145 = arith.constant 0 : i32
        %dma_start3A_146 = tpu.memref_slice %arg13[%add3A_137, %dma_start3A_145] : memref<79x128xi32, #tpu.memory_space<vmem>> -> memref<1x128xi32, #tpu.memory_space<vmem>>
        %dma_start3A_147 = tpu.memref_squeeze %dma_start3A_146 : memref<1x128xi32, #tpu.memory_space<vmem>> -> memref<128xi32, #tpu.memory_space<vmem>>
        %dma_start3A_148 = arith.constant 0 : i32
        %dma_start3A_149 = arith.constant 0 : i32
        %dma_start3A_150 = tpu.memref_slice %arg10[%dma_start3A_148, %dma_start3A_149] : memref<10112x128xbf16, #tpu.memory_space<vmem_shared>> -> memref<10112x128xbf16, #tpu.memory_space<vmem_shared>>
        tpu.enqueue_indirect_dma source(%arg14 : memref<128x128xbf16, #tpu.memory_space<vmem>>) target(%dma_start3A_150 : memref<10112x128xbf16, #tpu.memory_space<vmem_shared>>) offsets(%dma_start3A_147 : memref<128xi32, #tpu.memory_space<vmem>>) semaphore(%arg23 : memref<!tpu.dma_semaphore, #tpu.memory_space<semaphore_mem>>) {add = true}
        %add3A_151 = arith.constant 3 : i32
        %add3A_152 = arith.addi %add3A_137, %add3A_151 : i32
        %lt3A = arith.constant 79 : i32
        %lt3A_153 = arith.cmpi slt, %add3A_152, %lt3A : i32
        %convert_element_type3A_154 = arith.extui %lt3A_153 : i1 to i32
        %cond3A_155 = arith.constant 0 : i32
        %cond3A_156 = arith.cmpi ne, %convert_element_type3A_154, %cond3A_155 : i32
        scf.if %cond3A_156 {
          %ge3A = arith.constant 1 : i32
          %ge3A_235 = arith.cmpi sge, %add3A_137, %ge3A : i32
          %convert_element_type3A_236 = arith.extui %ge3A_235 : i1 to i32
          %cond3A_237 = arith.constant 0 : i32
          %cond3A_238 = arith.cmpi ne, %convert_element_type3A_236, %cond3A_237 : i32
          scf.if %cond3A_238 {
            %dma_wait3A_247 = arith.constant 0 : i32
            %dma_wait3A_248 = arith.constant 0 : i32
            %dma_wait3A_249 = tpu.memref_slice %arg13[%dma_wait3A_247, %dma_wait3A_248] : memref<79x128xi32, #tpu.memory_space<vmem>> -> memref<1x128xi32, #tpu.memory_space<vmem>>
            %dma_wait3A_250 = tpu.memref_squeeze %dma_wait3A_249 : memref<1x128xi32, #tpu.memory_space<vmem>> -> memref<128xi32, #tpu.memory_space<vmem>>
            %dma_wait3A_251 = arith.constant 0 : i32
            %dma_wait3A_252 = arith.constant 0 : i32
            %dma_wait3A_253 = tpu.memref_slice %arg10[%dma_wait3A_251, %dma_wait3A_252] : memref<10112x128xbf16, #tpu.memory_space<vmem_shared>> -> memref<10112x128xbf16, #tpu.memory_space<vmem_shared>>
            tpu.wait_indirect_dma semaphore(%arg26 : memref<!tpu.dma_semaphore, #tpu.memory_space<semaphore_mem>>) src(%arg17 : memref<128x128xbf16, #tpu.memory_space<vmem>>) dst(%dma_wait3A_253 : memref<10112x128xbf16, #tpu.memory_space<vmem_shared>>)
            %dma_wait3A_254 = arith.constant 0 : i32
            %dma_wait3A_255 = arith.constant 0 : i32
            %dma_wait3A_256 = tpu.memref_slice %arg13[%dma_wait3A_254, %dma_wait3A_255] : memref<79x128xi32, #tpu.memory_space<vmem>> -> memref<1x128xi32, #tpu.memory_space<vmem>>
            %dma_wait3A_257 = tpu.memref_squeeze %dma_wait3A_256 : memref<1x128xi32, #tpu.memory_space<vmem>> -> memref<128xi32, #tpu.memory_space<vmem>>
            %dma_wait3A_258 = arith.constant 0 : i32
            %dma_wait3A_259 = arith.constant 0 : i32
            %dma_wait3A_260 = tpu.memref_slice %arg11[%dma_wait3A_258, %dma_wait3A_259] : memref<10112x16xf32, #tpu.memory_space<vmem_shared>> -> memref<10112x16xf32, #tpu.memory_space<vmem_shared>>
            tpu.wait_indirect_dma semaphore(%arg26 : memref<!tpu.dma_semaphore, #tpu.memory_space<semaphore_mem>>) src(%arg18 : memref<128x16xf32, #tpu.memory_space<vmem>>) dst(%dma_wait3A_260 : memref<10112x16xf32, #tpu.memory_space<vmem_shared>>)
          } else {
          }
          %add3A_239 = arith.constant 3 : i32
          %add3A_240 = arith.addi %add3A_137, %add3A_239 : i32
          %dma_start3A_241 = arith.constant 0 : i32
          %dma_start3A_242 = tpu.memref_slice %arg12[%add3A_240, %dma_start3A_241] : memref<79x128xi32, #tpu.memory_space<vmem>> -> memref<1x128xi32, #tpu.memory_space<vmem>>
          %dma_start3A_243 = tpu.memref_squeeze %dma_start3A_242 : memref<1x128xi32, #tpu.memory_space<vmem>> -> memref<128xi32, #tpu.memory_space<vmem>>
          %dma_start3A_244 = arith.constant 0 : i32
          %dma_start3A_245 = arith.constant 0 : i32
          %dma_start3A_246 = tpu.memref_slice %arg3[%dma_start3A_244, %dma_start3A_245] : memref<10000x128xbf16, #tpu.memory_space<hbm>> -> memref<10000x128xbf16, #tpu.memory_space<hbm>>
          tpu.enqueue_indirect_dma source(%dma_start3A_246 : memref<10000x128xbf16, #tpu.memory_space<hbm>>) target(%arg17 : memref<128x128xbf16, #tpu.memory_space<vmem>>) offsets(%dma_start3A_243 : memref<128xi32, #tpu.memory_space<vmem>>) semaphore(%arg22 : memref<!tpu.dma_semaphore, #tpu.memory_space<semaphore_mem>>)
        } else {
        }
        %add3A_157 = arith.constant 1 : i32
        %add3A_158 = arith.addi %mul3A_136, %add3A_157 : i32
        %dma_wait3A_159 = arith.constant 0 : i32
        %dma_wait3A_160 = arith.constant 0 : i32
        %dma_wait3A_161 = tpu.memref_slice %arg12[%dma_wait3A_159, %dma_wait3A_160] : memref<79x128xi32, #tpu.memory_space<vmem>> -> memref<1x128xi32, #tpu.memory_space<vmem>>
        %dma_wait3A_162 = tpu.memref_squeeze %dma_wait3A_161 : memref<1x128xi32, #tpu.memory_space<vmem>> -> memref<128xi32, #tpu.memory_space<vmem>>
        %dma_wait3A_163 = arith.constant 0 : i32
        %dma_wait3A_164 = arith.constant 0 : i32
        %dma_wait3A_165 = tpu.memref_slice %arg3[%dma_wait3A_163, %dma_wait3A_164] : memref<10000x128xbf16, #tpu.memory_space<hbm>> -> memref<10000x128xbf16, #tpu.memory_space<hbm>>
        tpu.wait_indirect_dma semaphore(%arg20 : memref<!tpu.dma_semaphore, #tpu.memory_space<semaphore_mem>>) src(%dma_wait3A_165 : memref<10000x128xbf16, #tpu.memory_space<hbm>>) dst(%arg15 : memref<128x128xbf16, #tpu.memory_space<vmem>>)
        %dma_start3A_166 = arith.constant 0 : i32
        %dma_start3A_167 = tpu.memref_slice %arg13[%add3A_158, %dma_start3A_166] : memref<79x128xi32, #tpu.memory_space<vmem>> -> memref<1x128xi32, #tpu.memory_space<vmem>>
        %dma_start3A_168 = tpu.memref_squeeze %dma_start3A_167 : memref<1x128xi32, #tpu.memory_space<vmem>> -> memref<128xi32, #tpu.memory_space<vmem>>
        %dma_start3A_169 = arith.constant 0 : i32
        %dma_start3A_170 = arith.constant 0 : i32
        %dma_start3A_171 = tpu.memref_slice %arg10[%dma_start3A_169, %dma_start3A_170] : memref<10112x128xbf16, #tpu.memory_space<vmem_shared>> -> memref<10112x128xbf16, #tpu.memory_space<vmem_shared>>
        tpu.enqueue_indirect_dma source(%arg15 : memref<128x128xbf16, #tpu.memory_space<vmem>>) target(%dma_start3A_171 : memref<10112x128xbf16, #tpu.memory_space<vmem_shared>>) offsets(%dma_start3A_168 : memref<128xi32, #tpu.memory_space<vmem>>) semaphore(%arg24 : memref<!tpu.dma_semaphore, #tpu.memory_space<semaphore_mem>>) {add = true}
        %dma_start3A_172 = arith.constant 0 : i32
        %dma_start3A_173 = tpu.memref_slice %arg13[%add3A_158, %dma_start3A_172] : memref<79x128xi32, #tpu.memory_space<vmem>> -> memref<1x128xi32, #tpu.memory_space<vmem>>
        %dma_start3A_174 = tpu.memref_squeeze %dma_start3A_173 : memref<1x128xi32, #tpu.memory_space<vmem>> -> memref<128xi32, #tpu.memory_space<vmem>>
        %dma_start3A_175 = arith.constant 0 : i32
        %dma_start3A_176 = arith.constant 0 : i32
        %dma_start3A_177 = tpu.memref_slice %arg11[%dma_start3A_175, %dma_start3A_176] : memref<10112x16xf32, #tpu.memory_space<vmem_shared>> -> memref<10112x16xf32, #tpu.memory_space<vmem_shared>>
        tpu.enqueue_indirect_dma source(%arg18 : memref<128x16xf32, #tpu.memory_space<vmem>>) target(%dma_start3A_177 : memref<10112x16xf32, #tpu.memory_space<vmem_shared>>) offsets(%dma_start3A_174 : memref<128xi32, #tpu.memory_space<vmem>>) semaphore(%arg24 : memref<!tpu.dma_semaphore, #tpu.memory_space<semaphore_mem>>) {add = true}
        %add3A_178 = arith.constant 3 : i32
        %add3A_179 = arith.addi %add3A_158, %add3A_178 : i32
        %lt3A_180 = arith.constant 79 : i32
        %lt3A_181 = arith.cmpi slt, %add3A_179, %lt3A_180 : i32
        %convert_element_type3A_182 = arith.extui %lt3A_181 : i1 to i32
        %cond3A_183 = arith.constant 0 : i32
        %cond3A_184 = arith.cmpi ne, %convert_element_type3A_182, %cond3A_183 : i32
        scf.if %cond3A_184 {
          %ge3A = arith.constant 1 : i32
          %ge3A_235 = arith.cmpi sge, %add3A_158, %ge3A : i32
          %convert_element_type3A_236 = arith.extui %ge3A_235 : i1 to i32
          %cond3A_237 = arith.constant 0 : i32
          %cond3A_238 = arith.cmpi ne, %convert_element_type3A_236, %cond3A_237 : i32
          scf.if %cond3A_238 {
            %dma_wait3A_247 = arith.constant 0 : i32
            %dma_wait3A_248 = arith.constant 0 : i32
            %dma_wait3A_249 = tpu.memref_slice %arg13[%dma_wait3A_247, %dma_wait3A_248] : memref<79x128xi32, #tpu.memory_space<vmem>> -> memref<1x128xi32, #tpu.memory_space<vmem>>
            %dma_wait3A_250 = tpu.memref_squeeze %dma_wait3A_249 : memref<1x128xi32, #tpu.memory_space<vmem>> -> memref<128xi32, #tpu.memory_space<vmem>>
            %dma_wait3A_251 = arith.constant 0 : i32
            %dma_wait3A_252 = arith.constant 0 : i32
            %dma_wait3A_253 = tpu.memref_slice %arg10[%dma_wait3A_251, %dma_wait3A_252] : memref<10112x128xbf16, #tpu.memory_space<vmem_shared>> -> memref<10112x128xbf16, #tpu.memory_space<vmem_shared>>
            tpu.wait_indirect_dma semaphore(%arg23 : memref<!tpu.dma_semaphore, #tpu.memory_space<semaphore_mem>>) src(%arg14 : memref<128x128xbf16, #tpu.memory_space<vmem>>) dst(%dma_wait3A_253 : memref<10112x128xbf16, #tpu.memory_space<vmem_shared>>)
          } else {
          }
          %add3A_239 = arith.constant 3 : i32
          %add3A_240 = arith.addi %add3A_158, %add3A_239 : i32
          %dma_start3A_241 = arith.constant 0 : i32
          %dma_start3A_242 = tpu.memref_slice %arg12[%add3A_240, %dma_start3A_241] : memref<79x128xi32, #tpu.memory_space<vmem>> -> memref<1x128xi32, #tpu.memory_space<vmem>>
          %dma_start3A_243 = tpu.memref_squeeze %dma_start3A_242 : memref<1x128xi32, #tpu.memory_space<vmem>> -> memref<128xi32, #tpu.memory_space<vmem>>
          %dma_start3A_244 = arith.constant 0 : i32
          %dma_start3A_245 = arith.constant 0 : i32
          %dma_start3A_246 = tpu.memref_slice %arg3[%dma_start3A_244, %dma_start3A_245] : memref<10000x128xbf16, #tpu.memory_space<hbm>> -> memref<10000x128xbf16, #tpu.memory_space<hbm>>
          tpu.enqueue_indirect_dma source(%dma_start3A_246 : memref<10000x128xbf16, #tpu.memory_space<hbm>>) target(%arg14 : memref<128x128xbf16, #tpu.memory_space<vmem>>) offsets(%dma_start3A_243 : memref<128xi32, #tpu.memory_space<vmem>>) semaphore(%arg19 : memref<!tpu.dma_semaphore, #tpu.memory_space<semaphore_mem>>)
        } else {
        }
        %add3A_185 = arith.constant 2 : i32
        %add3A_186 = arith.addi %mul3A_136, %add3A_185 : i32
        %dma_wait3A_187 = arith.constant 0 : i32
        %dma_wait3A_188 = arith.constant 0 : i32
        %dma_wait3A_189 = tpu.memref_slice %arg12[%dma_wait3A_187, %dma_wait3A_188] : memref<79x128xi32, #tpu.memory_space<vmem>> -> memref<1x128xi32, #tpu.memory_space<vmem>>
        %dma_wait3A_190 = tpu.memref_squeeze %dma_wait3A_189 : memref<1x128xi32, #tpu.memory_space<vmem>> -> memref<128xi32, #tpu.memory_space<vmem>>
        %dma_wait3A_191 = arith.constant 0 : i32
        %dma_wait3A_192 = arith.constant 0 : i32
        %dma_wait3A_193 = tpu.memref_slice %arg3[%dma_wait3A_191, %dma_wait3A_192] : memref<10000x128xbf16, #tpu.memory_space<hbm>> -> memref<10000x128xbf16, #tpu.memory_space<hbm>>
        tpu.wait_indirect_dma semaphore(%arg21 : memref<!tpu.dma_semaphore, #tpu.memory_space<semaphore_mem>>) src(%dma_wait3A_193 : memref<10000x128xbf16, #tpu.memory_space<hbm>>) dst(%arg16 : memref<128x128xbf16, #tpu.memory_space<vmem>>)
        %dma_start3A_194 = arith.constant 0 : i32
        %dma_start3A_195 = tpu.memref_slice %arg13[%add3A_186, %dma_start3A_194] : memref<79x128xi32, #tpu.memory_space<vmem>> -> memref<1x128xi32, #tpu.memory_space<vmem>>
        %dma_start3A_196 = tpu.memref_squeeze %dma_start3A_195 : memref<1x128xi32, #tpu.memory_space<vmem>> -> memref<128xi32, #tpu.memory_space<vmem>>
        %dma_start3A_197 = arith.constant 0 : i32
        %dma_start3A_198 = arith.constant 0 : i32
        %dma_start3A_199 = tpu.memref_slice %arg10[%dma_start3A_197, %dma_start3A_198] : memref<10112x128xbf16, #tpu.memory_space<vmem_shared>> -> memref<10112x128xbf16, #tpu.memory_space<vmem_shared>>
        tpu.enqueue_indirect_dma source(%arg16 : memref<128x128xbf16, #tpu.memory_space<vmem>>) target(%dma_start3A_199 : memref<10112x128xbf16, #tpu.memory_space<vmem_shared>>) offsets(%dma_start3A_196 : memref<128xi32, #tpu.memory_space<vmem>>) semaphore(%arg25 : memref<!tpu.dma_semaphore, #tpu.memory_space<semaphore_mem>>) {add = true}
        %add3A_200 = arith.constant 3 : i32
        %add3A_201 = arith.addi %add3A_186, %add3A_200 : i32
        %lt3A_202 = arith.constant 79 : i32
        %lt3A_203 = arith.cmpi slt, %add3A_201, %lt3A_202 : i32
        %convert_element_type3A_204 = arith.extui %lt3A_203 : i1 to i32
        %cond3A_205 = arith.constant 0 : i32
        %cond3A_206 = arith.cmpi ne, %convert_element_type3A_204, %cond3A_205 : i32
        scf.if %cond3A_206 {
          %ge3A = arith.constant 1 : i32
          %ge3A_235 = arith.cmpi sge, %add3A_186, %ge3A : i32
          %convert_element_type3A_236 = arith.extui %ge3A_235 : i1 to i32
          %cond3A_237 = arith.constant 0 : i32
          %cond3A_238 = arith.cmpi ne, %convert_element_type3A_236, %cond3A_237 : i32
          scf.if %cond3A_238 {
            %dma_wait3A_247 = arith.constant 0 : i32
            %dma_wait3A_248 = arith.constant 0 : i32
            %dma_wait3A_249 = tpu.memref_slice %arg13[%dma_wait3A_247, %dma_wait3A_248] : memref<79x128xi32, #tpu.memory_space<vmem>> -> memref<1x128xi32, #tpu.memory_space<vmem>>
            %dma_wait3A_250 = tpu.memref_squeeze %dma_wait3A_249 : memref<1x128xi32, #tpu.memory_space<vmem>> -> memref<128xi32, #tpu.memory_space<vmem>>
            %dma_wait3A_251 = arith.constant 0 : i32
            %dma_wait3A_252 = arith.constant 0 : i32
            %dma_wait3A_253 = tpu.memref_slice %arg10[%dma_wait3A_251, %dma_wait3A_252] : memref<10112x128xbf16, #tpu.memory_space<vmem_shared>> -> memref<10112x128xbf16, #tpu.memory_space<vmem_shared>>
            tpu.wait_indirect_dma semaphore(%arg24 : memref<!tpu.dma_semaphore, #tpu.memory_space<semaphore_mem>>) src(%arg15 : memref<128x128xbf16, #tpu.memory_space<vmem>>) dst(%dma_wait3A_253 : memref<10112x128xbf16, #tpu.memory_space<vmem_shared>>)
            %dma_wait3A_254 = arith.constant 0 : i32
            %dma_wait3A_255 = arith.constant 0 : i32
            %dma_wait3A_256 = tpu.memref_slice %arg13[%dma_wait3A_254, %dma_wait3A_255] : memref<79x128xi32, #tpu.memory_space<vmem>> -> memref<1x128xi32, #tpu.memory_space<vmem>>
            %dma_wait3A_257 = tpu.memref_squeeze %dma_wait3A_256 : memref<1x128xi32, #tpu.memory_space<vmem>> -> memref<128xi32, #tpu.memory_space<vmem>>
            %dma_wait3A_258 = arith.constant 0 : i32
            %dma_wait3A_259 = arith.constant 0 : i32
            %dma_wait3A_260 = tpu.memref_slice %arg11[%dma_wait3A_258, %dma_wait3A_259] : memref<10112x16xf32, #tpu.memory_space<vmem_shared>> -> memref<10112x16xf32, #tpu.memory_space<vmem_shared>>
            tpu.wait_indirect_dma semaphore(%arg24 : memref<!tpu.dma_semaphore, #tpu.memory_space<semaphore_mem>>) src(%arg18 : memref<128x16xf32, #tpu.memory_space<vmem>>) dst(%dma_wait3A_260 : memref<10112x16xf32, #tpu.memory_space<vmem_shared>>)
          } else {
          }
          %add3A_239 = arith.constant 3 : i32
          %add3A_240 = arith.addi %add3A_186, %add3A_239 : i32
          %dma_start3A_241 = arith.constant 0 : i32
          %dma_start3A_242 = tpu.memref_slice %arg12[%add3A_240, %dma_start3A_241] : memref<79x128xi32, #tpu.memory_space<vmem>> -> memref<1x128xi32, #tpu.memory_space<vmem>>
          %dma_start3A_243 = tpu.memref_squeeze %dma_start3A_242 : memref<1x128xi32, #tpu.memory_space<vmem>> -> memref<128xi32, #tpu.memory_space<vmem>>
          %dma_start3A_244 = arith.constant 0 : i32
          %dma_start3A_245 = arith.constant 0 : i32
          %dma_start3A_246 = tpu.memref_slice %arg3[%dma_start3A_244, %dma_start3A_245] : memref<10000x128xbf16, #tpu.memory_space<hbm>> -> memref<10000x128xbf16, #tpu.memory_space<hbm>>
          tpu.enqueue_indirect_dma source(%dma_start3A_246 : memref<10000x128xbf16, #tpu.memory_space<hbm>>) target(%arg15 : memref<128x128xbf16, #tpu.memory_space<vmem>>) offsets(%dma_start3A_243 : memref<128xi32, #tpu.memory_space<vmem>>) semaphore(%arg20 : memref<!tpu.dma_semaphore, #tpu.memory_space<semaphore_mem>>)
        } else {
        }
        %add3A_207 = arith.constant 3 : i32
        %add3A_208 = arith.addi %mul3A_136, %add3A_207 : i32
        %dma_wait3A_209 = arith.constant 0 : i32
        %dma_wait3A_210 = arith.constant 0 : i32
        %dma_wait3A_211 = tpu.memref_slice %arg12[%dma_wait3A_209, %dma_wait3A_210] : memref<79x128xi32, #tpu.memory_space<vmem>> -> memref<1x128xi32, #tpu.memory_space<vmem>>
        %dma_wait3A_212 = tpu.memref_squeeze %dma_wait3A_211 : memref<1x128xi32, #tpu.memory_space<vmem>> -> memref<128xi32, #tpu.memory_space<vmem>>
        %dma_wait3A_213 = arith.constant 0 : i32
        %dma_wait3A_214 = arith.constant 0 : i32
        %dma_wait3A_215 = tpu.memref_slice %arg3[%dma_wait3A_213, %dma_wait3A_214] : memref<10000x128xbf16, #tpu.memory_space<hbm>> -> memref<10000x128xbf16, #tpu.memory_space<hbm>>
        tpu.wait_indirect_dma semaphore(%arg22 : memref<!tpu.dma_semaphore, #tpu.memory_space<semaphore_mem>>) src(%dma_wait3A_215 : memref<10000x128xbf16, #tpu.memory_space<hbm>>) dst(%arg17 : memref<128x128xbf16, #tpu.memory_space<vmem>>)
        %dma_start3A_216 = arith.constant 0 : i32
        %dma_start3A_217 = tpu.memref_slice %arg13[%add3A_208, %dma_start3A_216] : memref<79x128xi32, #tpu.memory_space<vmem>> -> memref<1x128xi32, #tpu.memory_space<vmem>>
        %dma_start3A_218 = tpu.memref_squeeze %dma_start3A_217 : memref<1x128xi32, #tpu.memory_space<vmem>> -> memref<128xi32, #tpu.memory_space<vmem>>
        %dma_start3A_219 = arith.constant 0 : i32
        %dma_start3A_220 = arith.constant 0 : i32
        %dma_start3A_221 = tpu.memref_slice %arg10[%dma_start3A_219, %dma_start3A_220] : memref<10112x128xbf16, #tpu.memory_space<vmem_shared>> -> memref<10112x128xbf16, #tpu.memory_space<vmem_shared>>
        tpu.enqueue_indirect_dma source(%arg17 : memref<128x128xbf16, #tpu.memory_space<vmem>>) target(%dma_start3A_221 : memref<10112x128xbf16, #tpu.memory_space<vmem_shared>>) offsets(%dma_start3A_218 : memref<128xi32, #tpu.memory_space<vmem>>) semaphore(%arg26 : memref<!tpu.dma_semaphore, #tpu.memory_space<semaphore_mem>>) {add = true}
        %dma_start3A_222 = arith.constant 0 : i32
        %dma_start3A_223 = tpu.memref_slice %arg13[%add3A_208, %dma_start3A_222] : memref<79x128xi32, #tpu.memory_space<vmem>> -> memref<1x128xi32, #tpu.memory_space<vmem>>
        %dma_start3A_224 = tpu.memref_squeeze %dma_start3A_223 : memref<1x128xi32, #tpu.memory_space<vmem>> -> memref<128xi32, #tpu.memory_space<vmem>>
        %dma_start3A_225 = arith.constant 0 : i32
        %dma_start3A_226 = arith.constant 0 : i32
        %dma_start3A_227 = tpu.memref_slice %arg11[%dma_start3A_225, %dma_start3A_226] : memref<10112x16xf32, #tpu.memory_space<vmem_shared>> -> memref<10112x16xf32, #tpu.memory_space<vmem_shared>>
        tpu.enqueue_indirect_dma source(%arg18 : memref<128x16xf32, #tpu.memory_space<vmem>>) target(%dma_start3A_227 : memref<10112x16xf32, #tpu.memory_space<vmem_shared>>) offsets(%dma_start3A_224 : memref<128xi32, #tpu.memory_space<vmem>>) semaphore(%arg26 : memref<!tpu.dma_semaphore, #tpu.memory_space<semaphore_mem>>) {add = true}
        %add3A_228 = arith.constant 3 : i32
        %add3A_229 = arith.addi %add3A_208, %add3A_228 : i32
        %lt3A_230 = arith.constant 79 : i32
        %lt3A_231 = arith.cmpi slt, %add3A_229, %lt3A_230 : i32
        %convert_element_type3A_232 = arith.extui %lt3A_231 : i1 to i32
        %cond3A_233 = arith.constant 0 : i32
        %cond3A_234 = arith.cmpi ne, %convert_element_type3A_232, %cond3A_233 : i32
        scf.if %cond3A_234 {
          %ge3A = arith.constant 1 : i32
          %ge3A_235 = arith.cmpi sge, %add3A_208, %ge3A : i32
          %convert_element_type3A_236 = arith.extui %ge3A_235 : i1 to i32
          %cond3A_237 = arith.constant 0 : i32
          %cond3A_238 = arith.cmpi ne, %convert_element_type3A_236, %cond3A_237 : i32
          scf.if %cond3A_238 {
            %dma_wait3A_247 = arith.constant 0 : i32
            %dma_wait3A_248 = arith.constant 0 : i32
            %dma_wait3A_249 = tpu.memref_slice %arg13[%dma_wait3A_247, %dma_wait3A_248] : memref<79x128xi32, #tpu.memory_space<vmem>> -> memref<1x128xi32, #tpu.memory_space<vmem>>
            %dma_wait3A_250 = tpu.memref_squeeze %dma_wait3A_249 : memref<1x128xi32, #tpu.memory_space<vmem>> -> memref<128xi32, #tpu.memory_space<vmem>>
            %dma_wait3A_251 = arith.constant 0 : i32
            %dma_wait3A_252 = arith.constant 0 : i32
            %dma_wait3A_253 = tpu.memref_slice %arg10[%dma_wait3A_251, %dma_wait3A_252] : memref<10112x128xbf16, #tpu.memory_space<vmem_shared>> -> memref<10112x128xbf16, #tpu.memory_space<vmem_shared>>
            tpu.wait_indirect_dma semaphore(%arg25 : memref<!tpu.dma_semaphore, #tpu.memory_space<semaphore_mem>>) src(%arg16 : memref<128x128xbf16, #tpu.memory_space<vmem>>) dst(%dma_wait3A_253 : memref<10112x128xbf16, #tpu.memory_space<vmem_shared>>)
          } else {
          }
          %add3A_239 = arith.constant 3 : i32
          %add3A_240 = arith.addi %add3A_208, %add3A_239 : i32
          %dma_start3A_241 = arith.constant 0 : i32
          %dma_start3A_242 = tpu.memref_slice %arg12[%add3A_240, %dma_start3A_241] : memref<79x128xi32, #tpu.memory_space<vmem>> -> memref<1x128xi32, #tpu.memory_space<vmem>>
          %dma_start3A_243 = tpu.memref_squeeze %dma_start3A_242 : memref<1x128xi32, #tpu.memory_space<vmem>> -> memref<128xi32, #tpu.memory_space<vmem>>
          %dma_start3A_244 = arith.constant 0 : i32
          %dma_start3A_245 = arith.constant 0 : i32
          %dma_start3A_246 = tpu.memref_slice %arg3[%dma_start3A_244, %dma_start3A_245] : memref<10000x128xbf16, #tpu.memory_space<hbm>> -> memref<10000x128xbf16, #tpu.memory_space<hbm>>
          tpu.enqueue_indirect_dma source(%dma_start3A_246 : memref<10000x128xbf16, #tpu.memory_space<hbm>>) target(%arg16 : memref<128x128xbf16, #tpu.memory_space<vmem>>) offsets(%dma_start3A_243 : memref<128xi32, #tpu.memory_space<vmem>>) semaphore(%arg21 : memref<!tpu.dma_semaphore, #tpu.memory_space<semaphore_mem>>)
        } else {
        }
      }
      %scan3A_43 = arith.constant 19 : i32
      %dma_wait3A = arith.constant 0 : i32
      %dma_wait3A_44 = arith.constant 0 : i32
      %dma_wait3A_45 = tpu.memref_slice %arg12[%dma_wait3A, %dma_wait3A_44] : memref<79x128xi32, #tpu.memory_space<vmem>> -> memref<1x128xi32, #tpu.memory_space<vmem>>
      %dma_wait3A_46 = tpu.memref_squeeze %dma_wait3A_45 : memref<1x128xi32, #tpu.memory_space<vmem>> -> memref<128xi32, #tpu.memory_space<vmem>>
      %dma_wait3A_47 = arith.constant 0 : i32
      %dma_wait3A_48 = arith.constant 0 : i32
      %dma_wait3A_49 = tpu.memref_slice %arg3[%dma_wait3A_47, %dma_wait3A_48] : memref<10000x128xbf16, #tpu.memory_space<hbm>> -> memref<10000x128xbf16, #tpu.memory_space<hbm>>
      tpu.wait_indirect_dma semaphore(%arg19 : memref<!tpu.dma_semaphore, #tpu.memory_space<semaphore_mem>>) src(%dma_wait3A_49 : memref<10000x128xbf16, #tpu.memory_space<hbm>>) dst(%arg14 : memref<128x128xbf16, #tpu.memory_space<vmem>>)
      %dma_start3A_50 = arith.constant 76 : i32
      %dma_start3A_51 = arith.constant 0 : i32
      %dma_start3A_52 = tpu.memref_slice %arg13[%dma_start3A_50, %dma_start3A_51] : memref<79x128xi32, #tpu.memory_space<vmem>> -> memref<1x128xi32, #tpu.memory_space<vmem>>
      %dma_start3A_53 = tpu.memref_squeeze %dma_start3A_52 : memref<1x128xi32, #tpu.memory_space<vmem>> -> memref<128xi32, #tpu.memory_space<vmem>>
      %dma_start3A_54 = arith.constant 0 : i32
      %dma_start3A_55 = arith.constant 0 : i32
      %dma_start3A_56 = tpu.memref_slice %arg10[%dma_start3A_54, %dma_start3A_55] : memref<10112x128xbf16, #tpu.memory_space<vmem_shared>> -> memref<10112x128xbf16, #tpu.memory_space<vmem_shared>>
      tpu.enqueue_indirect_dma source(%arg14 : memref<128x128xbf16, #tpu.memory_space<vmem>>) target(%dma_start3A_56 : memref<10112x128xbf16, #tpu.memory_space<vmem_shared>>) offsets(%dma_start3A_53 : memref<128xi32, #tpu.memory_space<vmem>>) semaphore(%arg23 : memref<!tpu.dma_semaphore, #tpu.memory_space<semaphore_mem>>) {add = true}
      %dma_wait3A_57 = arith.constant 0 : i32
      %dma_wait3A_58 = arith.constant 0 : i32
      %dma_wait3A_59 = tpu.memref_slice %arg12[%dma_wait3A_57, %dma_wait3A_58] : memref<79x128xi32, #tpu.memory_space<vmem>> -> memref<1x128xi32, #tpu.memory_space<vmem>>
      %dma_wait3A_60 = tpu.memref_squeeze %dma_wait3A_59 : memref<1x128xi32, #tpu.memory_space<vmem>> -> memref<128xi32, #tpu.memory_space<vmem>>
      %dma_wait3A_61 = arith.constant 0 : i32
      %dma_wait3A_62 = arith.constant 0 : i32
      %dma_wait3A_63 = tpu.memref_slice %arg3[%dma_wait3A_61, %dma_wait3A_62] : memref<10000x128xbf16, #tpu.memory_space<hbm>> -> memref<10000x128xbf16, #tpu.memory_space<hbm>>
      tpu.wait_indirect_dma semaphore(%arg20 : memref<!tpu.dma_semaphore, #tpu.memory_space<semaphore_mem>>) src(%dma_wait3A_63 : memref<10000x128xbf16, #tpu.memory_space<hbm>>) dst(%arg15 : memref<128x128xbf16, #tpu.memory_space<vmem>>)
      %dma_start3A_64 = arith.constant 77 : i32
      %dma_start3A_65 = arith.constant 0 : i32
      %dma_start3A_66 = tpu.memref_slice %arg13[%dma_start3A_64, %dma_start3A_65] : memref<79x128xi32, #tpu.memory_space<vmem>> -> memref<1x128xi32, #tpu.memory_space<vmem>>
      %dma_start3A_67 = tpu.memref_squeeze %dma_start3A_66 : memref<1x128xi32, #tpu.memory_space<vmem>> -> memref<128xi32, #tpu.memory_space<vmem>>
      %dma_start3A_68 = arith.constant 0 : i32
      %dma_start3A_69 = arith.constant 0 : i32
      %dma_start3A_70 = tpu.memref_slice %arg10[%dma_start3A_68, %dma_start3A_69] : memref<10112x128xbf16, #tpu.memory_space<vmem_shared>> -> memref<10112x128xbf16, #tpu.memory_space<vmem_shared>>
      tpu.enqueue_indirect_dma source(%arg15 : memref<128x128xbf16, #tpu.memory_space<vmem>>) target(%dma_start3A_70 : memref<10112x128xbf16, #tpu.memory_space<vmem_shared>>) offsets(%dma_start3A_67 : memref<128xi32, #tpu.memory_space<vmem>>) semaphore(%arg24 : memref<!tpu.dma_semaphore, #tpu.memory_space<semaphore_mem>>) {add = true}
      %dma_start3A_71 = arith.constant 77 : i32
      %dma_start3A_72 = arith.constant 0 : i32
      %dma_start3A_73 = tpu.memref_slice %arg13[%dma_start3A_71, %dma_start3A_72] : memref<79x128xi32, #tpu.memory_space<vmem>> -> memref<1x128xi32, #tpu.memory_space<vmem>>
      %dma_start3A_74 = tpu.memref_squeeze %dma_start3A_73 : memref<1x128xi32, #tpu.memory_space<vmem>> -> memref<128xi32, #tpu.memory_space<vmem>>
      %dma_start3A_75 = arith.constant 0 : i32
      %dma_start3A_76 = arith.constant 0 : i32
      %dma_start3A_77 = tpu.memref_slice %arg11[%dma_start3A_75, %dma_start3A_76] : memref<10112x16xf32, #tpu.memory_space<vmem_shared>> -> memref<10112x16xf32, #tpu.memory_space<vmem_shared>>
      tpu.enqueue_indirect_dma source(%arg18 : memref<128x16xf32, #tpu.memory_space<vmem>>) target(%dma_start3A_77 : memref<10112x16xf32, #tpu.memory_space<vmem_shared>>) offsets(%dma_start3A_74 : memref<128xi32, #tpu.memory_space<vmem>>) semaphore(%arg24 : memref<!tpu.dma_semaphore, #tpu.memory_space<semaphore_mem>>) {add = true}
      %dma_wait3A_78 = arith.constant 0 : i32
      %dma_wait3A_79 = arith.constant 0 : i32
      %dma_wait3A_80 = tpu.memref_slice %arg12[%dma_wait3A_78, %dma_wait3A_79] : memref<79x128xi32, #tpu.memory_space<vmem>> -> memref<1x128xi32, #tpu.memory_space<vmem>>
      %dma_wait3A_81 = tpu.memref_squeeze %dma_wait3A_80 : memref<1x128xi32, #tpu.memory_space<vmem>> -> memref<128xi32, #tpu.memory_space<vmem>>
      %dma_wait3A_82 = arith.constant 0 : i32
      %dma_wait3A_83 = arith.constant 0 : i32
      %dma_wait3A_84 = tpu.memref_slice %arg3[%dma_wait3A_82, %dma_wait3A_83] : memref<10000x128xbf16, #tpu.memory_space<hbm>> -> memref<10000x128xbf16, #tpu.memory_space<hbm>>
      tpu.wait_indirect_dma semaphore(%arg21 : memref<!tpu.dma_semaphore, #tpu.memory_space<semaphore_mem>>) src(%dma_wait3A_84 : memref<10000x128xbf16, #tpu.memory_space<hbm>>) dst(%arg16 : memref<128x128xbf16, #tpu.memory_space<vmem>>)
      %dma_start3A_85 = arith.constant 78 : i32
      %dma_start3A_86 = arith.constant 0 : i32
      %dma_start3A_87 = tpu.memref_slice %arg13[%dma_start3A_85, %dma_start3A_86] : memref<79x128xi32, #tpu.memory_space<vmem>> -> memref<1x128xi32, #tpu.memory_space<vmem>>
      %dma_start3A_88 = tpu.memref_squeeze %dma_start3A_87 : memref<1x128xi32, #tpu.memory_space<vmem>> -> memref<128xi32, #tpu.memory_space<vmem>>
      %dma_start3A_89 = arith.constant 0 : i32
      %dma_start3A_90 = arith.constant 0 : i32
      %dma_start3A_91 = tpu.memref_slice %arg10[%dma_start3A_89, %dma_start3A_90] : memref<10112x128xbf16, #tpu.memory_space<vmem_shared>> -> memref<10112x128xbf16, #tpu.memory_space<vmem_shared>>
      tpu.enqueue_indirect_dma source(%arg16 : memref<128x128xbf16, #tpu.memory_space<vmem>>) target(%dma_start3A_91 : memref<10112x128xbf16, #tpu.memory_space<vmem_shared>>) offsets(%dma_start3A_88 : memref<128xi32, #tpu.memory_space<vmem>>) semaphore(%arg25 : memref<!tpu.dma_semaphore, #tpu.memory_space<semaphore_mem>>) {add = true}
      %dma_wait3A_92 = arith.constant 0 : i32
      %dma_wait3A_93 = arith.constant 0 : i32
      %dma_wait3A_94 = tpu.memref_slice %arg13[%dma_wait3A_92, %dma_wait3A_93] : memref<79x128xi32, #tpu.memory_space<vmem>> -> memref<1x128xi32, #tpu.memory_space<vmem>>
      %dma_wait3A_95 = tpu.memref_squeeze %dma_wait3A_94 : memref<1x128xi32, #tpu.memory_space<vmem>> -> memref<128xi32, #tpu.memory_space<vmem>>
      %dma_wait3A_96 = arith.constant 0 : i32
      %dma_wait3A_97 = arith.constant 0 : i32
      %dma_wait3A_98 = tpu.memref_slice %arg10[%dma_wait3A_96, %dma_wait3A_97] : memref<10112x128xbf16, #tpu.memory_space<vmem_shared>> -> memref<10112x128xbf16, #tpu.memory_space<vmem_shared>>
      tpu.wait_indirect_dma semaphore(%arg26 : memref<!tpu.dma_semaphore, #tpu.memory_space<semaphore_mem>>) src(%arg17 : memref<128x128xbf16, #tpu.memory_space<vmem>>) dst(%dma_wait3A_98 : memref<10112x128xbf16, #tpu.memory_space<vmem_shared>>)
      %dma_wait3A_99 = arith.constant 0 : i32
      %dma_wait3A_100 = arith.constant 0 : i32
      %dma_wait3A_101 = tpu.memref_slice %arg13[%dma_wait3A_99, %dma_wait3A_100] : memref<79x128xi32, #tpu.memory_space<vmem>> -> memref<1x128xi32, #tpu.memory_space<vmem>>
      %dma_wait3A_102 = tpu.memref_squeeze %dma_wait3A_101 : memref<1x128xi32, #tpu.memory_space<vmem>> -> memref<128xi32, #tpu.memory_space<vmem>>
      %dma_wait3A_103 = arith.constant 0 : i32
      %dma_wait3A_104 = arith.constant 0 : i32
      %dma_wait3A_105 = tpu.memref_slice %arg11[%dma_wait3A_103, %dma_wait3A_104] : memref<10112x16xf32, #tpu.memory_space<vmem_shared>> -> memref<10112x16xf32, #tpu.memory_space<vmem_shared>>
      tpu.wait_indirect_dma semaphore(%arg26 : memref<!tpu.dma_semaphore, #tpu.memory_space<semaphore_mem>>) src(%arg18 : memref<128x16xf32, #tpu.memory_space<vmem>>) dst(%dma_wait3A_105 : memref<10112x16xf32, #tpu.memory_space<vmem_shared>>)
      %dma_wait3A_106 = arith.constant 0 : i32
      %dma_wait3A_107 = arith.constant 0 : i32
      %dma_wait3A_108 = tpu.memref_slice %arg13[%dma_wait3A_106, %dma_wait3A_107] : memref<79x128xi32, #tpu.memory_space<vmem>> -> memref<1x128xi32, #tpu.memory_space<vmem>>
      %dma_wait3A_109 = tpu.memref_squeeze %dma_wait3A_108 : memref<1x128xi32, #tpu.memory_space<vmem>> -> memref<128xi32, #tpu.memory_space<vmem>>
      %dma_wait3A_110 = arith.constant 0 : i32
      %dma_wait3A_111 = arith.constant 0 : i32
      %dma_wait3A_112 = tpu.memref_slice %arg10[%dma_wait3A_110, %dma_wait3A_111] : memref<10112x128xbf16, #tpu.memory_space<vmem_shared>> -> memref<10112x128xbf16, #tpu.memory_space<vmem_shared>>
      tpu.wait_indirect_dma semaphore(%arg23 : memref<!tpu.dma_semaphore, #tpu.memory_space<semaphore_mem>>) src(%arg14 : memref<128x128xbf16, #tpu.memory_space<vmem>>) dst(%dma_wait3A_112 : memref<10112x128xbf16, #tpu.memory_space<vmem_shared>>)
      %dma_wait3A_113 = arith.constant 0 : i32
      %dma_wait3A_114 = arith.constant 0 : i32
      %dma_wait3A_115 = tpu.memref_slice %arg13[%dma_wait3A_113, %dma_wait3A_114] : memref<79x128xi32, #tpu.memory_space<vmem>> -> memref<1x128xi32, #tpu.memory_space<vmem>>
      %dma_wait3A_116 = tpu.memref_squeeze %dma_wait3A_115 : memref<1x128xi32, #tpu.memory_space<vmem>> -> memref<128xi32, #tpu.memory_space<vmem>>
      %dma_wait3A_117 = arith.constant 0 : i32
      %dma_wait3A_118 = arith.constant 0 : i32
      %dma_wait3A_119 = tpu.memref_slice %arg10[%dma_wait3A_117, %dma_wait3A_118] : memref<10112x128xbf16, #tpu.memory_space<vmem_shared>> -> memref<10112x128xbf16, #tpu.memory_space<vmem_shared>>
      tpu.wait_indirect_dma semaphore(%arg24 : memref<!tpu.dma_semaphore, #tpu.memory_space<semaphore_mem>>) src(%arg15 : memref<128x128xbf16, #tpu.memory_space<vmem>>) dst(%dma_wait3A_119 : memref<10112x128xbf16, #tpu.memory_space<vmem_shared>>)
      %dma_wait3A_120 = arith.constant 0 : i32
      %dma_wait3A_121 = arith.constant 0 : i32
      %dma_wait3A_122 = tpu.memref_slice %arg13[%dma_wait3A_120, %dma_wait3A_121] : memref<79x128xi32, #tpu.memory_space<vmem>> -> memref<1x128xi32, #tpu.memory_space<vmem>>
      %dma_wait3A_123 = tpu.memref_squeeze %dma_wait3A_122 : memref<1x128xi32, #tpu.memory_space<vmem>> -> memref<128xi32, #tpu.memory_space<vmem>>
      %dma_wait3A_124 = arith.constant 0 : i32
      %dma_wait3A_125 = arith.constant 0 : i32
      %dma_wait3A_126 = tpu.memref_slice %arg11[%dma_wait3A_124, %dma_wait3A_125] : memref<10112x16xf32, #tpu.memory_space<vmem_shared>> -> memref<10112x16xf32, #tpu.memory_space<vmem_shared>>
      tpu.wait_indirect_dma semaphore(%arg24 : memref<!tpu.dma_semaphore, #tpu.memory_space<semaphore_mem>>) src(%arg18 : memref<128x16xf32, #tpu.memory_space<vmem>>) dst(%dma_wait3A_126 : memref<10112x16xf32, #tpu.memory_space<vmem_shared>>)
      %dma_wait3A_127 = arith.constant 0 : i32
      %dma_wait3A_128 = arith.constant 0 : i32
      %dma_wait3A_129 = tpu.memref_slice %arg13[%dma_wait3A_127, %dma_wait3A_128] : memref<79x128xi32, #tpu.memory_space<vmem>> -> memref<1x128xi32, #tpu.memory_space<vmem>>
      %dma_wait3A_130 = tpu.memref_squeeze %dma_wait3A_129 : memref<1x128xi32, #tpu.memory_space<vmem>> -> memref<128xi32, #tpu.memory_space<vmem>>
      %dma_wait3A_131 = arith.constant 0 : i32
      %dma_wait3A_132 = arith.constant 0 : i32
      %dma_wait3A_133 = tpu.memref_slice %arg10[%dma_wait3A_131, %dma_wait3A_132] : memref<10112x128xbf16, #tpu.memory_space<vmem_shared>> -> memref<10112x128xbf16, #tpu.memory_space<vmem_shared>>
      tpu.wait_indirect_dma semaphore(%arg25 : memref<!tpu.dma_semaphore, #tpu.memory_space<semaphore_mem>>) src(%arg16 : memref<128x128xbf16, #tpu.memory_space<vmem>>) dst(%dma_wait3A_133 : memref<10112x128xbf16, #tpu.memory_space<vmem_shared>>)
    } else {
    }
    %barrier3A_18 = arith.constant 0 : index
    tpu.barrier barrier_id(%barrier3A_18)
    "tpu.region"() ({
      %run_scoped3A = tpu.sem_alloc : memref<!tpu.dma_semaphore, #tpu.memory_space<semaphore_mem>>
      %dma_start3A = arith.constant 0 : i32
      %dma_start3A_19 = tpu.memref_slice %arg8[%arg0, %mul3A_0, %dma_start3A] : memref<2x10112x128xbf16, #tpu.memory_space<hbm>> -> memref<1x632x128xbf16, #tpu.memory_space<hbm>>
      %dma_start3A_20 = tpu.memref_squeeze %dma_start3A_19 : memref<1x632x128xbf16, #tpu.memory_space<hbm>> -> memref<632x128xbf16, #tpu.memory_space<hbm>>
      %dma_start3A_21 = arith.constant 0 : i32
      %dma_start3A_22 = tpu.memref_slice %arg10[%mul3A_0, %dma_start3A_21] : memref<10112x128xbf16, #tpu.memory_space<vmem_shared>> -> memref<632x128xbf16, #tpu.memory_space<vmem_shared>>
      tpu.enqueue_dma source(%dma_start3A_22 : memref<632x128xbf16, #tpu.memory_space<vmem_shared>>) target(%dma_start3A_20 : memref<632x128xbf16, #tpu.memory_space<hbm>>) target_semaphore(%run_scoped3A : memref<!tpu.dma_semaphore, #tpu.memory_space<semaphore_mem>>)
      %dma_wait3A = arith.constant 0 : i32
      %dma_wait3A_23 = tpu.memref_slice %arg8[%arg0, %mul3A_0, %dma_wait3A] : memref<2x10112x128xbf16, #tpu.memory_space<hbm>> -> memref<1x632x128xbf16, #tpu.memory_space<hbm>>
      %dma_wait3A_24 = tpu.memref_squeeze %dma_wait3A_23 : memref<1x632x128xbf16, #tpu.memory_space<hbm>> -> memref<632x128xbf16, #tpu.memory_space<hbm>>
      %dma_wait3A_25 = arith.constant 0 : i32
      %dma_wait3A_26 = tpu.memref_slice %arg10[%mul3A_0, %dma_wait3A_25] : memref<10112x128xbf16, #tpu.memory_space<vmem_shared>> -> memref<632x128xbf16, #tpu.memory_space<vmem_shared>>
      tpu.wait_dma2 semaphore(%run_scoped3A : memref<!tpu.dma_semaphore, #tpu.memory_space<semaphore_mem>>) src(%dma_wait3A_26 : memref<632x128xbf16, #tpu.memory_space<vmem_shared>>) dst(%dma_wait3A_24 : memref<632x128xbf16, #tpu.memory_space<hbm>>)
      tpu.yield
    }) : () -> ()
    "tpu.region"() ({
      %run_scoped3A = tpu.sem_alloc : memref<!tpu.dma_semaphore, #tpu.memory_space<semaphore_mem>>
      %dma_start3A = arith.constant 0 : i32
      %dma_start3A_19 = tpu.memref_slice %arg9[%arg0, %mul3A_0, %dma_start3A] : memref<2x10112x16xf32, #tpu.memory_space<hbm>> -> memref<1x632x16xf32, #tpu.memory_space<hbm>>
      %dma_start3A_20 = tpu.memref_squeeze %dma_start3A_19 : memref<1x632x16xf32, #tpu.memory_space<hbm>> -> memref<632x16xf32, #tpu.memory_space<hbm>>
      %dma_start3A_21 = arith.constant 0 : i32
      %dma_start3A_22 = tpu.memref_slice %arg11[%mul3A_0, %dma_start3A_21] : memref<10112x16xf32, #tpu.memory_space<vmem_shared>> -> memref<632x16xf32, #tpu.memory_space<vmem_shared>>
      tpu.enqueue_dma source(%dma_start3A_22 : memref<632x16xf32, #tpu.memory_space<vmem_shared>>) target(%dma_start3A_20 : memref<632x16xf32, #tpu.memory_space<hbm>>) target_semaphore(%run_scoped3A : memref<!tpu.dma_semaphore, #tpu.memory_space<semaphore_mem>>)
      %dma_wait3A = arith.constant 0 : i32
      %dma_wait3A_23 = tpu.memref_slice %arg9[%arg0, %mul3A_0, %dma_wait3A] : memref<2x10112x16xf32, #tpu.memory_space<hbm>> -> memref<1x632x16xf32, #tpu.memory_space<hbm>>
      %dma_wait3A_24 = tpu.memref_squeeze %dma_wait3A_23 : memref<1x632x16xf32, #tpu.memory_space<hbm>> -> memref<632x16xf32, #tpu.memory_space<hbm>>
      %dma_wait3A_25 = arith.constant 0 : i32
      %dma_wait3A_26 = tpu.memref_slice %arg11[%mul3A_0, %dma_wait3A_25] : memref<10112x16xf32, #tpu.memory_space<vmem_shared>> -> memref<632x16xf32, #tpu.memory_space<vmem_shared>>
      tpu.wait_dma2 semaphore(%run_scoped3A : memref<!tpu.dma_semaphore, #tpu.memory_space<semaphore_mem>>) src(%dma_wait3A_26 : memref<632x16xf32, #tpu.memory_space<vmem_shared>>) dst(%dma_wait3A_24 : memref<632x16xf32, #tpu.memory_space<hbm>>)
      tpu.yield
    }) : () -> ()
    return
  }
}

module attributes {stable_mosaic.version = 14 : i64} {
  func.func @_tc_body(%arg0: i32, %arg1: memref<2x10112x128xbf16, #tpu.memory_space<any>>, %arg2: memref<2x10112x16xf32, #tpu.memory_space<any>>, %arg3: memref<256x256xf32, #tpu.memory_space<vmem>>, %arg4: memref<1x256xf32, #tpu.memory_space<vmem>>, %arg5: memref<1264x256xf32, #tpu.memory_space<vmem>>, %arg6: memref<2x1264x128xbf16, #tpu.memory_space<vmem>>, %arg7: memref<2x1264x16xf32, #tpu.memory_space<vmem>>, %arg8: memref<!tpu.dma_semaphore, #tpu.memory_space<semaphore_mem>>) attributes {dimension_semantics = [#tpu.dimension_semantics<arbitrary>], iteration_bounds = array<i64: 8>, scalar_prefetch = 0 : i64, scratch_operands = 3 : i64, tpu.core_type = #tpu.core_type<tc>, window_params = [{}, {}, {pipeline_mode = #tpu.pipeline_mode<synchronous>, transform_indices = @transform_2, window_bounds = array<i64: 256, 256>}, {pipeline_mode = #tpu.pipeline_mode<synchronous>, transform_indices = @transform_3, window_bounds = array<i64: 1, 256>}, {transform_indices = @transform_4, window_bounds = array<i64: 1264, 256>}]} {
    %mul3A = arith.constant 1264 : i32
    %mul3A_0 = arith.muli %arg0, %mul3A : i32
    %dma_start3A = arith.constant 0 : i32
    %dma_start3A_1 = arith.constant 0 : i32
    %dma_start3A_2 = tpu.memref_slice %arg1[%dma_start3A, %mul3A_0, %dma_start3A_1] : memref<2x10112x128xbf16, #tpu.memory_space<any>> -> memref<2x1264x128xbf16, #tpu.memory_space<any>>
    tpu.enqueue_dma source(%dma_start3A_2 : memref<2x1264x128xbf16, #tpu.memory_space<any>>) target(%arg6 : memref<2x1264x128xbf16, #tpu.memory_space<vmem>>) target_semaphore(%arg8 : memref<!tpu.dma_semaphore, #tpu.memory_space<semaphore_mem>>)
    %mul3A_3 = arith.constant 1264 : i32
    %mul3A_4 = arith.muli %arg0, %mul3A_3 : i32
    %dma_start3A_5 = arith.constant 0 : i32
    %dma_start3A_6 = arith.constant 0 : i32
    %dma_start3A_7 = tpu.memref_slice %arg2[%dma_start3A_5, %mul3A_4, %dma_start3A_6] : memref<2x10112x16xf32, #tpu.memory_space<any>> -> memref<2x1264x16xf32, #tpu.memory_space<any>>
    tpu.enqueue_dma source(%dma_start3A_7 : memref<2x1264x16xf32, #tpu.memory_space<any>>) target(%arg7 : memref<2x1264x16xf32, #tpu.memory_space<vmem>>) target_semaphore(%arg8 : memref<!tpu.dma_semaphore, #tpu.memory_space<semaphore_mem>>)
    %dma_wait3A = arith.constant 0 : i32
    %dma_wait3A_8 = arith.constant 0 : i32
    %dma_wait3A_9 = tpu.memref_slice %arg1[%dma_wait3A, %mul3A_0, %dma_wait3A_8] : memref<2x10112x128xbf16, #tpu.memory_space<any>> -> memref<2x1264x128xbf16, #tpu.memory_space<any>>
    tpu.wait_dma2 semaphore(%arg8 : memref<!tpu.dma_semaphore, #tpu.memory_space<semaphore_mem>>) src(%dma_wait3A_9 : memref<2x1264x128xbf16, #tpu.memory_space<any>>) dst(%arg6 : memref<2x1264x128xbf16, #tpu.memory_space<vmem>>)
    %dma_wait3A_10 = arith.constant 0 : i32
    %dma_wait3A_11 = arith.constant 0 : i32
    %dma_wait3A_12 = tpu.memref_slice %arg2[%dma_wait3A_10, %mul3A_4, %dma_wait3A_11] : memref<2x10112x16xf32, #tpu.memory_space<any>> -> memref<2x1264x16xf32, #tpu.memory_space<any>>
    tpu.wait_dma2 semaphore(%arg8 : memref<!tpu.dma_semaphore, #tpu.memory_space<semaphore_mem>>) src(%dma_wait3A_12 : memref<2x1264x16xf32, #tpu.memory_space<any>>) dst(%arg7 : memref<2x1264x16xf32, #tpu.memory_space<vmem>>)
    %get3A = arith.constant 0 : index
    %get3A_13 = arith.constant 0 : index
    %get3A_14 = arith.constant 0 : index
    %get3A_15 = vector.load %arg6[%get3A, %get3A_13, %get3A_14] : memref<2x1264x128xbf16, #tpu.memory_space<vmem>>, vector<1x1264x128xbf16>
    %get3A_16 = vector.shape_cast %get3A_15 : vector<1x1264x128xbf16> to vector<1264x128xbf16>
    %get3A_17 = arith.constant 1 : index
    %get3A_18 = arith.constant 0 : index
    %get3A_19 = arith.constant 0 : index
    %get3A_20 = vector.load %arg6[%get3A_17, %get3A_18, %get3A_19] : memref<2x1264x128xbf16, #tpu.memory_space<vmem>>, vector<1x1264x128xbf16>
    %get3A_21 = vector.shape_cast %get3A_20 : vector<1x1264x128xbf16> to vector<1264x128xbf16>
    %concatenate3A = tpu.concatenate %get3A_16, %get3A_21 in 1 : vector<1264x128xbf16>, vector<1264x128xbf16> -> vector<1264x256xbf16>
    %convert_element_type3A = arith.extf %concatenate3A : vector<1264x256xbf16> to vector<1264x256xf32>
    %get3A_22 = arith.constant 0 : index
    %get3A_23 = arith.constant 0 : index
    %get3A_24 = arith.constant 0 : index
    %get3A_25 = vector.load %arg7[%get3A_22, %get3A_23, %get3A_24] : memref<2x1264x16xf32, #tpu.memory_space<vmem>>, vector<1x1264x1xf32>
    %get3A_26 = vector.shape_cast %get3A_25 : vector<1x1264x1xf32> to vector<1264x1xf32>
    %get3A_27 = arith.constant 1 : index
    %get3A_28 = arith.constant 0 : index
    %get3A_29 = arith.constant 0 : index
    %get3A_30 = vector.load %arg7[%get3A_27, %get3A_28, %get3A_29] : memref<2x1264x16xf32, #tpu.memory_space<vmem>>, vector<1x1264x1xf32>
    %get3A_31 = vector.shape_cast %get3A_30 : vector<1x1264x1xf32> to vector<1264x1xf32>
    %add3A = arith.addf %get3A_26, %get3A_31 : vector<1264x1xf32>
    %max3A = arith.constant 1.000000e+00 : f32
    %max3A_32 = vector.broadcast %max3A : f32 to vector<1264x1xf32>
    %max3A_33 = arith.maximumf %add3A, %max3A_32 : vector<1264x1xf32>
    %add3A_34 = arith.constant 1.000000e+00 : f32
    %add3A_35 = vector.broadcast %add3A_34 : f32 to vector<1264x1xf32>
    %add3A_36 = arith.addf %add3A_35, %max3A_33 : vector<1264x1xf32>
    %div3A = vector.broadcast %add3A_36 : vector<1264x1xf32> to vector<1264x256xf32>
    %div3A_37 = arith.divf %convert_element_type3A, %div3A : vector<1264x256xf32>
    %convert_element_type3A_38 = arith.truncf %div3A_37 : vector<1264x256xf32> to vector<1264x256xbf16>
    %get3A_39 = arith.constant 0 : index
    %get3A_40 = arith.constant 0 : index
    %get3A_41 = vector.load %arg3[%get3A_39, %get3A_40] : memref<256x256xf32, #tpu.memory_space<vmem>>, vector<256x256xf32>
    %convert_element_type3A_42 = arith.truncf %get3A_41 : vector<256x256xf32> to vector<256x256xbf16>
    %dot_general3A = arith.constant dense<0.000000e+00> : vector<1264x256xf32>
    %dot_general3A_43 = tpu.matmul %convert_element_type3A_38, %convert_element_type3A_42, %dot_general3A {dimension_numbers = #tpu.dot_dimension_numbers<[1], [1], [0], [0], [0, 0, 1, 0], [], []>, transpose_lhs_hint = false} : vector<1264x256xbf16>, vector<256x256xbf16>, vector<1264x256xf32> -> vector<1264x256xf32>
    %get3A_44 = arith.constant 0 : index
    %get3A_45 = arith.constant 0 : index
    %get3A_46 = vector.load %arg4[%get3A_44, %get3A_45] : memref<1x256xf32, #tpu.memory_space<vmem>>, vector<1x256xf32>
    %add3A_47 = vector.broadcast %get3A_46 : vector<1x256xf32> to vector<1264x256xf32>
    %add3A_48 = arith.addf %dot_general3A_43, %add3A_47 : vector<1264x256xf32>
    %ge3A = arith.constant 0.000000e+00 : f32
    %ge3A_49 = vector.broadcast %ge3A : f32 to vector<1264x256xf32>
    %ge3A_50 = arith.cmpf oge, %add3A_48, %ge3A_49 : vector<1264x256xf32>
    %mul3A_51 = arith.constant 2.000000e-01 : f32
    %mul3A_52 = vector.broadcast %mul3A_51 : f32 to vector<1264x256xf32>
    %mul3A_53 = arith.mulf %mul3A_52, %add3A_48 : vector<1264x256xf32>
    %select_n3A = arith.select %ge3A_50, %add3A_48, %mul3A_53 : vector<1264x256xi1>, vector<1264x256xf32>
    %swap3A = arith.constant 0 : index
    %swap3A_54 = arith.constant 0 : index
    %swap3A_55 = vector.load %arg5[%swap3A, %swap3A_54] : memref<1264x256xf32, #tpu.memory_space<vmem>>, vector<1264x256xf32>
    tpu.vector_store %arg5[%swap3A, %swap3A_54], %select_n3A {strides = array<i32>} : memref<1264x256xf32, #tpu.memory_space<vmem>>, vector<1264x256xf32>,
    return
  }
  func.func @transform_2(%arg0: i32) -> (i32, i32) {
    %c0_i32 = arith.constant 0 : i32
    %c0_i32_0 = arith.constant 0 : i32
    %c0_i32_1 = arith.constant 0 : i32
    return %c0_i32, %c0_i32_0 : i32, i32
  }
  func.func @transform_3(%arg0: i32) -> (i32, i32) {
    %c0_i32 = arith.constant 0 : i32
    %c0_i32_0 = arith.constant 0 : i32
    %c0_i32_1 = arith.constant 0 : i32
    return %c0_i32, %c0_i32_0 : i32, i32
  }
  func.func @transform_4(%arg0: i32) -> (i32, i32) {
    %c0_i32 = arith.constant 0 : i32
    %c0_i32_0 = arith.constant 0 : i32
    return %arg0, %c0_i32 : i32, i32
  }
}

</mosaic_0001>

<sc_bundles>
// kernel: kernel.4.cloned.1.call-start
scs
__scs_entry_jumppad:
0x0: {  	(pc) =	sbr.rel $0x88, $3  }
0x1: {  	(tag) =	ssettag $0x0;
	lr =	simm.s32 $0x1  }
0x2: {  	[smem:$0x3F9D] =	sst lr;
	_ =	strace $0xD0000000  }
0x3: {  	_ = 	snop  }
0x4: {  	_ = 	snop  }
0x5: {  	_ = 	snop  }
0x6: {  	_ = 	snop  }
0x7: {  	_ = 	snop  }
__scs_overlays_trampoline_lowered:
0x8: {  	[smem:$0x3FAC] =	sst s0  }
0x9: {  	[smem:$0x3FAD] =	sst s1  }
0xa: {  	[smem:$0x3FAE] =	sst s2  }
0xb: {  	[smem:$0x3FAF] =	sst s3  }
0xc: {  	[smem:$0x3FB0] =	sst s4  }
0xd: {  	[smem:$0x3FB1] =	sst s5  }
0xe: {  	[smem:$0x3FB2] =	sst s6  }
0xf: {  	[smem:$0x3FB3] =	sst s7  }
0x10: {  	[smem:$0x3FB4] =	sst s8  }
0x11: {  	[smem:$0x3FB5] =	sst s9;
	s0 =	simm.s32 @!p0 $0x0  }
0x12: {  	s1 =	sld [smem:$0x3F9B];
	s0 =	simm.s32 @p0 $0x1  }
0x13: {  	[smem:$0x3FB6] =	sst s0;
	s0 =	simm.s32 @!p1 $0x0  }
0x14: {  	s2 =	sld [smem:$0x3F9A];
	s0 =	simm.s32 @p1 $0x1  }
0x15: {  	[smem:$0x3FB7] =	sst s0;
	s0 =	simm.s32 @!p2 $0x0  }
0x16: {  	s3 =	sld [smem:$0x3FDB];
	s0 =	simm.s32 @p2 $0x1  }
0x17: {  	s4 =	simm.s32 $0x1BF5;
	[smem:$0x3FB9] =	sst s0  }
0x18: {  	s0 =	sld [smem:$0x3F9C];
	_ =	swait.ge [sflag:s4], $0x0  }
0x19: {  	s7 =	sld [smem:$0x3F9D]  }
0x1a: {  	s8 =	sadd.s32 $0xFFFFE003, lr  }
0x1b: {  	s9 =	sadd.s32 $0xFFFFFEF7, lr;
	s5 =	simm.s32 $0xFFFFFFFF;
	p2 =	slt.u32 s8, $0xFFFFF086  }
0x1c: {  	p1 =	slt.u32 s9, $0xF7A;
	s5 =	simm.s32 @!p2 $0x0  }
0x1d: {  	s5 =	simm.s32 @p1 $0x1;
	p0 =	seq.s32 s7, s2  }
0x1e: {  	s7 =	smul.u32 @!p0 $0xF7A, s2;
	p2 =	seq.s32 @!p0 s5, $0x0  }
0x1f: {  	s9 =	smul.u32 $0xF7A, s1;
	s8 =	simm.s32 @!p0 $0x1BF5;
	p2 =	por !p2, p0  }
0x20: {  	[sflag:s8] =	ssyncset.s32 @!p0 $0xFFFFF086;
	s6 =	sadd.s32 @!p0 s3, s7;
	s7 =	simm.s32 @!p0 $0x108  }
0x21: {  	s3 =	sadd.s32 s3, s9;
	s6 =	sadd.s32 @!p0 $0x88, s6;
	s7 =	simm.s32 @p2 $0x1082  }
0x22: {  	[simem:s7], [sflag:s8] =	dma.local @!p0 [hbm:s6], $0xF7A  }
0x23: {  	s9 =	sor.u32 $0xD0000000, s2;
	s6 =	simm.s32 $0x108;
	_ =	swait.ge @!p0 [sflag:s8], $0x0  }
0x24: {  	s3 =	sadd.s32 $0x88, s3;
	s6 =	simm.s32 @!p1 $0x1082;
	[sflag:s4] =	ssyncset.s32 $0xFFFFF086  }
0x25: {  	[simem:s6], [sflag:s4] =	dma.local [hbm:s3], $0xF7A  }
0x26: {  	[smem:$0x3F9D] =	sst s1;
	(tag) =	ssettag s2;
	_ =	strace s9  }
0x27: {  	s1 =	sld [smem:$0x3FAD]  }
0x28: {  	s2 =	sld [smem:$0x3FAE]  }
0x29: {  	s4 =	sld [smem:$0x3FB0]  }
0x2a: {  	p0 =	seq.s32 s5, $0x0;
	s5 =	sld [smem:$0x3FB1]  }
0x2b: {  	s6 =	sld [smem:$0x3FB2]  }
0x2c: {  	s7 =	sld [smem:$0x3FB3]  }
0x2d: {  	s3 =	simm.s32 $0x108;
	s8 =	sld [smem:$0x3FB4]  }
0x2e: {  	s3 =	simm.s32 @!p0 $0x1082;
	s9 =	sld [smem:$0x3FB5]  }
0x2f: {  	lr =	sadd.s32 s0, s3;
	s0 =	sld [smem:$0x3FAC]  }
0x30: {  	s3 =	sld [smem:$0x3FAF]  }
0x31: {  	[smem:$0x3FB8] =	sst s10  }
0x32: {  	s10 =	sld [smem:$0x3FB6];
	_ =	sdelay $0x3  }
0x33: {  	p0 =	seq.s32 s10, $0x1;
	s10 =	sld [smem:$0x3FB8];
	_ =	sdelay $0x3  }
0x34: {  	[smem:$0x3FB8] =	sst s10  }
0x35: {  	s10 =	sld [smem:$0x3FB7];
	_ =	sdelay $0x3  }
0x36: {  	p1 =	seq.s32 s10, $0x1;
	s10 =	sld [smem:$0x3FB8];
	_ =	sdelay $0x3  }
0x37: {  	[smem:$0x3FB8] =	sst s10  }
0x38: {  	s10 =	sld [smem:$0x3FB9]  }
0x39: {  	_ = 	snop;
	(pc) =	sbr.ind lr, $3  }
0x3a: {  	_ = 	snop  }
0x3b: {  	_ = 	snop  }
0x3c: {  	p2 =	seq.s32 s10, $0x1;
	s10 =	sld [smem:$0x3FB8]  }
0x3d: {  	_ =	shalt  }
0x3e: {  	_ =	shalt  }
0x3f: {  	_ =	shalt  }
0x40: {  	_ =	shalt  }
0x41: {  	_ =	shalt  }
0x42: {  	_ =	shalt  }
0x43: {  	_ =	shalt  }
0x44: {  	_ =	shalt  }
0x45: {  	_ =	shalt  }
0x46: {  	_ =	shalt  }
0x47: {  	_ =	shalt  }
0x48: {  	_ =	shalt  }
0x49: {  	_ =	shalt  }
0x4a: {  	_ =	shalt  }
0x4b: {  	_ =	shalt  }
0x4c: {  	_ =	shalt  }
0x4d: {  	_ =	shalt  }
0x4e: {  	_ =	shalt  }
0x4f: {  	_ =	shalt  }
0x50: {  	_ =	shalt  }
0x51: {  	_ =	shalt  }
0x52: {  	_ =	shalt  }
0x53: {  	_ =	shalt  }
0x54: {  	_ =	shalt  }
0x55: {  	_ =	shalt  }
0x56: {  	_ =	shalt  }
0x57: {  	_ =	shalt  }
0x58: {  	_ =	shalt  }
0x59: {  	_ =	shalt  }
0x5a: {  	_ =	shalt  }
0x5b: {  	_ =	shalt  }
0x5c: {  	_ =	shalt  }
0x5d: {  	_ =	shalt  }
0x5e: {  	_ =	shalt  }
0x5f: {  	_ =	shalt  }
0x60: {  	_ =	shalt  }
0x61: {  	_ =	shalt  }
0x62: {  	_ =	shalt  }
0x63: {  	_ =	shalt  }
0x64: {  	_ =	shalt  }
0x65: {  	_ =	shalt  }
0x66: {  	_ =	shalt  }
0x67: {  	_ =	shalt  }
0x68: {  	_ =	shalt  }
0x69: {  	_ =	shalt  }
0x6a: {  	_ =	shalt  }
0x6b: {  	_ =	shalt  }
0x6c: {  	_ =	shalt  }
0x6d: {  	_ =	shalt  }
0x6e: {  	_ =	shalt  }
0x6f: {  	_ =	shalt  }
0x70: {  	_ =	shalt  }
0x71: {  	_ =	shalt  }
0x72: {  	_ =	shalt  }
0x73: {  	_ =	shalt  }
0x74: {  	_ =	shalt  }
0x75: {  	_ =	shalt  }
0x76: {  	_ =	shalt  }
0x77: {  	_ =	shalt  }
0x78: {  	_ =	shalt  }
0x79: {  	_ =	shalt  }
0x7a: {  	_ =	shalt  }
0x7b: {  	_ =	shalt  }
0x7c: {  	_ =	shalt  }
0x7d: {  	_ =	shalt  }
0x7e: {  	_ =	shalt  }
0x7f: {  	_ =	shalt  }
0x80: {  	_ =	shalt  }
0x81: {  	_ =	shalt  }
0x82: {  	_ =	shalt  }
0x83: {  	_ =	shalt  }
0x84: {  	_ =	shalt  }
0x85: {  	_ =	shalt  }
0x86: {  	_ =	shalt  }
0x87: {  	_ =	shalt  }
.Lfunc_end0:
.L_simem_size_0:
called_computation_lowered:
.L_overlay_start_0:
0x88: {  	s2 =	sld [smem:$0x3FD9]  }
0x89: {  	s3 =	sld [smem:$0x3FFE];
	_ =	sdelay $0x1  }
0x8a: {  	s1 =	srdreg.scid  }
0x8b: {  	s0 =	sand.u32 $0x1, s1  }
0x8c: {  	s17 =	sshll.u32 s0, $0xA;
	s2 =	sadd.s32 s3, s2  }
0x8d: {  	s2 =	sadd.s32 s2, s17  }
0x8e: {  	[smem:$0x3FC4] =	sst s2  }
0x8f: {  	_ = 	snop  }
0x90: {  	s2 =	sld [smem:$0x3FD0];
	(tm) =	ssettm $0x1  }
0x91: {  	s18 =	sld [smem:$0x3FFB];
	_ =	sdelay $0x3  }
0x92: {  	_ =	strace s18  }
0x93: {  	s3 =	sld [smem:$0x3FFC];
	_ =	sdelay $0x3  }
0x94: {  	_ =	strace s3  }
0x95: {  	s3 =	sld [smem:$0x3FFD];
	_ =	sdelay $0x3  }
0x96: {  	_ =	strace s3  }
0x97: {  	_ =	strace $0x8FFFFFFF  }
0x98: {  	s19 =	sld [smem:$0x3FDB];
	_ =	sdelay $0x1  }
0x99: {  	s4 =	simm.s32 $_scs_section_size  }
0x9a: {  	s5 =	simm.s32 $_size__tile_overlayer_lowered;
	s6 =	simm.s32 $_tile_overlayer_lowered  }
0x9b: {  	s22 =	simm.s32 $0x1BFF;
	s21 =	sshll.u32 s6, $0x1;
	s3 =	sadd.s32 s4, s19  }
0x9c: {  	s7 =	simm.s32 $0x0;
	s20 =	sshll.u32 s5, $0x1;
	s5 =	sadd.s32 s21, s3  }
0x9d: {  	[timem:s7], [sflag:s22] =	dma.local [hbm:s5], s20  }
0x9e: {  	_ =	swait.ge [sflag:s22], s20  }
0x9f: {  	s4 =	ssub.s32 $0x0, s20;
	[sflag:s22] =	ssyncset.done $0x0  }
0xa0: {  	[sflag:s22] =	ssyncadd.s32 s4;
	_ =	sdelay $0x1  }
0xa1: {  	s23 =	simm.s32 $0x1B8B  }
0xa2: {  	_ =	swait.ge [sflag:s23], $0x1  }
0xa3: {  	[sflag:s23] =	ssyncset.done $0x0  }
0xa4: {  	s25 =	simm.s32 $0x1B8E;
	s24 =	sld [smem:$0x3FFE];
	[sflag:s23] =	ssyncadd.s32 $0xFFFFFFFF  }
0xa5: {  	s26 =	simm.s32 $execute0_lowered;
	[smem:$0x3FD2] =	sst s25  }
0xa6: {  	s5 =	sshll.u32 s26, $0x1;
	_ =	strace $0x80000046;
	[dreg:$0x1] =	wrdreg $0xFFFFFFFF  }
0xa7: {  	s28 =	simm.s32 $_size_execute0_lowered;
	s3 =	sadd.s32 s3, s5;
	[dreg:$0x0] =	wrdreg $0x0  }
0xa8: {  	s5 =	sshll.u32 s28, $0x1;
	[dreg:$0x2] =	wrdreg s3  }
0xa9: {  	[dreg:$0x3] =	wrdreg s5  }
0xaa: {  	[dreg:$0x4] =	wrdreg $0xC0  }
0xab: {  	_ =	task [dreg:s7], $0x5FFFF  }
0xac: {  	[dreg:$0x1] =	wrdreg $0xFFFFFFFF  }
0xad: {  	[dreg:$0x0] =	wrdreg $0x60  }
0xae: {  	[dreg:$0x2] =	wrdreg s24  }
0xaf: {  	[dreg:$0x3] =	wrdreg s2  }
0xb0: {  	[dreg:$0x4] =	wrdreg $0x9E000  }
0xb1: {  	[dreg:$0x5] =	wrdreg $0x0  }
0xb2: {  	[dreg:$0x6] =	wrdreg $0x9  }
0xb3: {  	_ =	task.clear_ibuf [dreg:s7], $0x7FFFF;
	_ =	strace $0x90000046  }
0xb4: {  	s29 =	simm.s32 $0x9;
	_ =	strace $0x80000048  }
0xb5: {  	_ =	swait.ge [sflag:s29], $0x1  }
0xb6: {  	[sflag:s29] =	ssyncadd.s32 $0xFFFFFFFF  }
0xb7: {  	_ =	strace $0x90000048  }
0xb8: {  	_ =	sfence  }
0xb9: {  	s30 =	sld [smem:$0x0];
	_ =	sdelay $0x2  }
0xba: {  	s31 =	sshll.u32 s1, $0xD;
	s1 =	sshrl.u32 s1, $0x2  }
0xbb: {  	s3 =	sand.u32 $0x4000, s31;
	s1 =	sadd.s32 s1, s30  }
0xbc: {  	s0 =	sor.u32 s3, s0;
	s1 =	sshll.u32 s1, $0x11  }
0xbd: {  	s0 =	sor.u32 s1, s0  }
0xbe: {  	s0 =	sadd.s32 $0x8F2B, s0  }
0xbf: {  	[sflag:s0] =	ssyncadd.remote.s32 $0x1  }
0xc0: {  	_ =	sfence.sel $0xFFFF  }
0xc1: {  	[dreg:$0x0] =	wrdreg $0xFFFFFFFF;
	(pc) =	sbr.abs _section_cstart, $3  }
0xc2: {  	[dreg:$0x1] =	wrdreg $0xFFFFFFFF  }
0xc3: {  	_ =	task.clear_ibuf [dreg:s7], $0x2FFFF;
	_ =	strace $0x9FFFFFFF  }
0xc4: {  	(tm) =	ssettm $0x7FFFFFFF  }
0xc5: {  	_ =	shalt  }
tec
execute0_lowered:
.L_overlay_start_1:
0x0: {  	(tag) =	ssettag $0x1  }
0x1: {  	s0 =	rddreg [dreg:$0x0]  }
0x2: {  	s1 =	rddreg [dreg:$0x1]  }
0x3: {  	s2 =	rddreg [dreg:$0x2]  }
0x4: {  	s3 =	rddreg [dreg:$0x3]  }
0x5: {  	s15 =	stileid.u32;
	s4 =	simm.s32 $0x0;
	s5 =	srdreg.scid  }
0x6: {  	s29 =	simm.s32 $0x13480;
	s31 =	simm.s32 $0x15480;
	s28 =	simm.s32 $0x17480  }
0x7: {  	s30 =	simm.s32 $0x4;
	s7 =	smul.u32 $0x4F0, s15;
	[smem:$0x7FF] =	sst s4  }
0x8: {  	s8 =	smul.u32 $0x2780, s15;
	s9 =	sand.u32 $0x1, s5;
	s5 =	sadd.s32 $0x14400, s0  }
0x9: {  	s6 =	sadd.s32 $0xA00, s0;
	s12 =	sadd.s32 $0x31E00, s0;
	s14 =	smul.u32 $0x13C00, s15  }
0xa: {  	s21 =	sadd.s32 $0x94200, s3;
	s22 =	sadd.s32 $0x13240, s0;
	p1 =	seq.s32 s15, $0xF  }
0xb: {  	s15 =	simm.s32 $0x2;
	_ =	strace $0x80000047;
	[dreg:$0x5] =	wrdreg s12  }
0xc: {  	s10 =	smul.u32 $0x27800, s9;
	s26 =	ssub.s32 $0x2, s9;
	[dreg:$0xb] =	wrdreg s21  }
0xd: {  	s18 =	smul.u32 $0x13C000, s9;
	[dreg:$0xc] =	wrdreg s22;
	p0 =	sne.s32 s9, $0x0  }
0xe: {  	s22 =	simm.s32 $0x9;
	s11 =	sshrl.u32 s8, $0x3;
	s7 =	sadd.s32 s7, s0  }
0xf: {  	s13 =	sshrl.u32 s26, $0x1;
	s16 =	sadd.s32 s8, s2;
	s17 =	sshrl.u32 s14, $0x1  }
0x10: {  	s19 =	sshrl.u32 s14, $0x4;
	s11 =	sadd.s32 s11, s0;
	s10 =	sadd.s32 s8, s10  }
0x11: {  	s13 =	ssub.s32 s26, s13;
	s4 =	sadd.s32 $0x27E00, s7;
	s7 =	sadd.s32 $0x2CE00, s7  }
0x12: {  	[dreg:$0x8] =	wrdreg s16;
	s12 =	sadd.s32 s17, s3;
	s20 =	sadd.s32 s6, s19  }
0x13: {  	s8 =	sadd.s32 s14, s18;
	s18 =	simm.s32 $0xED00;
	[dreg:$0x6] =	wrdreg s4  }
0x14: {  	s16 =	simm.s32 $0x5;
	s17 =	simm.s32 $0x7;
	[dreg:$0x7] =	wrdreg s7  }
0x15: {  	s10 =	sshrl.u32 s10, $0x3;
	s11 =	sadd.s32 $0x32000, s11;
	[dreg:$0xa] =	wrdreg s20  }
0x16: {  	s7 =	sadd.s32 s5, s19;
	s23 =	sshrl.u32 s8, $0x4;
	s26 =	smax.u32 s13, $0x1  }
0x17: {  	s13 =	simm.s32 $0x3;
	s20 =	simm.s32 $0x11300;
	s19 =	simm.s32 $0x11380  }
0x18: {  	s8 =	simm.s32 $0x0;
	s4 =	simm.s32 $0xED00;
	[dreg:$0x9] =	wrdreg s11  }
0x19: {  	s10 =	sadd.s32 s10, s0;
	[dreg:$0xd] =	wrdreg s7;
	s0 =	sadd.s32 $0x26C40, s0  }
.Ltmp0:
0x1a: {  	s24 =	sadd.s32 s1, s23;
	[dreg:$0x11] =	wrdreg s26;
	(pc) =	sbr.rel .LBB2_1-.Ltmp0, $4  }
0x1b: {  	s26 =	simm.s32 $0x11480;
	s1 =	simm.s32 $0x6;
	[dreg:$0xe] =	wrdreg s0  }
0x1c: {  	s7 =	simm.s32 $0x8;
	s23 =	simm.s32 $0x11400;
	[dreg:$0xf] =	wrdreg s24  }
0x1d: {  	s25 =	sadd.s32 $0x37000, s10;
	s10 =	simm.s32 $0xC580;
	s24 =	simm.s32 $0x19480  }
0x1e: {  	s0 =	simm.s32 $0x1;
	[dreg:$0x10] =	wrdreg s25;
	s25 =	simm.s32 $0x80  }
.LBB2_7:
0x1f: {  	[tilespmem:s31], [sflag:$0x3] =	stream.indirect.gather [hbm4b:s6+s25], $0x40, s14, s25, $0xb8;
	[tilespmem:$0x19C80] =	vst v63  }
0x20: {  	_ =	swait.ge [sflag:s0], $0x2000  }
0x21: {  	[sflag:s0] =	ssyncset.done $0x0  }
0x22: {  	[sflag:s0] =	ssyncadd.s32 $0xFFFFE000  }
0x23: {  	[spmem:s3] =	stream.indirect.scatter.add.bf16 [tilespmem:s26], [sflag:$0x5], $0x40, s20, s25, $0xb8;
	[tilespmem:$0x19C80] =	vst v63  }
0x24: {  	_ =	swait.ge [sflag:s15], $0x2000  }
0x25: {  	[sflag:s15] =	ssyncset.done $0x0  }
0x26: {  	s11 =	simm.s32 $0x11380;
	[sflag:s15] =	ssyncadd.s32 $0xFFFFE000  }
0x27: {  	[spmem:s3] =	stream.indirect.scatter.add.bf16 [tilespmem:s29], [sflag:$0x6], $0x40, s11, s25, $0xb8;
	[tilespmem:$0x19C80] =	vst v63  }
0x28: {  	_ = 	snop  }
0x29: {  	[spmem:s2] =	stream.indirect.scatter.add.f32 [tilespmem:s24], [sflag:$0x6], $0x10, s11, s25, $0xb8;
	[tilespmem:$0x19C80] =	vst v63  }
0x2a: {  	_ =	swait.ge [sflag:s13], $0x2000  }
0x2b: {  	[sflag:s13] =	ssyncset.done $0x0  }
0x2c: {  	[sflag:s13] =	ssyncadd.s32 $0xFFFFE000  }
0x2d: {  	[spmem:s3] =	stream.indirect.scatter.add.bf16 [tilespmem:s31], [sflag:$0x7], $0x40, s23, s25, $0xb8;
	[tilespmem:$0x19C80] =	vst v63  }
0x2e: {  	_ =	swait.ge [sflag:s7], $0x2000  }
0x2f: {  	[sflag:s7] =	ssyncset.done $0x0  }
0x30: {  	[sflag:s7] =	ssyncadd.s32 $0xFFFFE000  }
0x31: {  	_ =	swait.ge [sflag:s7], $0x800  }
0x32: {  	[sflag:s7] =	ssyncset.done $0x0  }
0x33: {  	[sflag:s7] =	ssyncadd.s32 $0xFFFFF800  }
0x34: {  	_ =	swait.ge [sflag:s16], $0x2000  }
0x35: {  	[sflag:s16] =	ssyncset.done $0x0  }
0x36: {  	[sflag:s16] =	ssyncadd.s32 $0xFFFFE000  }
0x37: {  	_ =	swait.ge [sflag:s1], $0x2000  }
0x38: {  	[sflag:s1] =	ssyncset.done $0x0  }
0x39: {  	[sflag:s1] =	ssyncadd.s32 $0xFFFFE000  }
0x3a: {  	_ =	swait.ge [sflag:s1], $0x800  }
0x3b: {  	[sflag:s1] =	ssyncset.done $0x0  }
0x3c: {  	[sflag:s1] =	ssyncadd.s32 $0xFFFFF800  }
0x3d: {  	_ =	swait.ge [sflag:s17], $0x2000  }
0x3e: {  	[sflag:s17] =	ssyncset.done $0x0  }
0x3f: {  	s19 =	simm.s32 $0x11380;
	[sflag:s17] =	ssyncadd.s32 $0xFFFFE000  }
.LBB2_8:
0x40: {  	[bflag:$0x0] =	sbarrier.arrive $0xFFFF  }
0x41: {  	s11 =	sshrl.u32 s12, $0x3;
	s14 =	rddreg [dreg:$0xf]  }
0x42: {  	[hbm:s14], [sflag:s9] =	dma.local [spmem:s11], $0x13C0  }
0x43: {  	_ =	swait.ge [sflag:s22], $0x13C0  }
0x44: {  	[sflag:s22] =	ssyncset.done $0x0  }
0x45: {  	s14 =	rddreg [dreg:$0x10];
	[sflag:s22] =	ssyncadd.s32 $0xFFFFEC40  }
0x46: {  	[hbm:s14], [sflag:s9] =	dma.local [spmem:s10], $0x4F0  }
0x47: {  	_ =	swait.ge [sflag:s22], $0x4F0  }
0x48: {  	s8 =	sadd.s32 $0x1, s8;
	s21 =	rddreg [dreg:$0x11]  }
0x49: {  	p2 =	sne.s32 s8, s21  }
.Ltmp1:
0x4a: {  	_ = 	snop;
	(pc) =	sbr.rel @!p2 .LBB2_9-.Ltmp1, $3  }
0x4b: {  	_ =	sdelay $0x1  }
0x4c: {  	[sflag:s22] =	ssyncset.done $0x0  }
0x4d: {  	s10 =	simm.s32 $0xC580;
	[sflag:s22] =	ssyncadd.s32 $0xFFFFFB10  }
.LBB2_1:
0x4e: {  	s9 =	rddreg [dreg:$0x6];
	s14 =	simm.s32 $0x0  }
0x4f: {  	[tilespmem:s10], [sflag:$0x9] =	stream.linear.gather [hbm4b:s9+s14], $0x2780, $0x38;
	[tilespmem:$0x19C80] =	vst v63  }
0x50: {  	_ =	swait.ge [sflag:s22], $0x2780  }
0x51: {  	[sflag:s22] =	ssyncset.done $0x0  }
0x52: {  	s10 =	stileid.u32;
	s21 =	rddreg [dreg:$0x7];
	[sflag:s22] =	ssyncadd.s32 $0xFFFFD880  }
0x53: {  	[tilespmem:s18], [sflag:$0x9] =	stream.linear.gather [hbm4b:s21+s14], $0x2780, $0x38;
	[tilespmem:$0x19C80] =	vst v63  }
0x54: {  	s9 =	sshll.u32 s10, $0x6;
	_ =	swait.ge [sflag:s22], $0x2780  }
0x55: {  	s9 =	sor.u32 $0x1C09, s9;
	[sflag:s22] =	ssyncset.done $0x0;
	s11 =	rddreg [dreg:$0x8]  }
0x56: {  	[sflag:s22] =	ssyncadd.s32 $0xFFFFD880;
	s10 =	sshrl.u32 s11, $0x3;
	s11 =	rddreg [dreg:$0x9]  }
0x57: {  	[spmem:s10], [sflag:s9] =	dma.local [hbm:s11], $0x4F0  }
0x58: {  	_ =	swait.ge [sflag:s22], $0x4F0  }
0x59: {  	[sflag:s22] =	ssyncset.done $0x0  }
.Ltmp2:
0x5a: {  	s21 =	rddreg [dreg:$0x5];
	[sflag:s22] =	ssyncadd.s32 $0xFFFFFB10;
	(pc) =	sbr.rel @p0 .LBB2_5-.Ltmp2, $4  }
0x5b: {  	[tilespmem:s24], [sflag:$0x9] =	stream.linear.gather [hbm4b:s21+s14], $0x800, $0x38;
	[tilespmem:$0x19C80] =	vst v63  }
0x5c: {  	_ =	swait.ge [sflag:s22], $0x800  }
0x5d: {  	s18 =	simm.s32 $0xC580;
	[sflag:s22] =	ssyncset.done $0x0;
	s11 =	rddreg [dreg:$0xb]  }
0x5e: {  	[sflag:s22] =	ssyncadd.s32 $0xFFFFF800;
	s14 =	sshrl.u32 @p1 s11, $0x3;
	s11 =	sshrl.u32 @!p1 s12, $0x3  }
0x5f: {  	s21 =	rddreg [dreg:$0xe]  }
0x60: {  	[spmem:s14], [sflag:s9] =	dma.local @p1 [hbm:s21], $0x1040  }
0x61: {  	s14 =	simm.s32 @p1 $0x9  }
0x62: {  	_ =	swait.ge @p1 [sflag:s14], $0x1040  }
0x63: {  	[sflag:s14] =	ssyncset.done @p1 $0x0  }
0x64: {  	[sflag:s14] =	ssyncadd.s32 @p1 $0xFFFFEFC0;
	s14 =	rddreg [dreg:$0xd]  }
0x65: {  	[spmem:s11], [sflag:s9] =	dma.local @!p1 [hbm:s14], $0x13C0  }
0x66: {  	s11 =	simm.s32 @!p1 $0x9  }
0x67: {  	_ =	swait.ge @!p1 [sflag:s11], $0x13C0  }
0x68: {  	[sflag:s11] =	ssyncset.done @!p1 $0x0  }
0x69: {  	[sflag:s11] =	ssyncadd.s32 @!p1 $0xFFFFEC40  }
0x6a: {  	s18 =	simm.s32 $0xC580;
	[bflag:$0x0] =	sbarrier.arrive $0xFFFF  }
0x6b: {  	[tilespmem:s26], [sflag:$0x1] =	stream.indirect.gather [hbm4b:s5+s25], $0x40, s18, s25, $0xb8;
	[tilespmem:$0x19C80] =	vst v63  }
0x6c: {  	s18 =	simm.s32 $0xC600  }
0x6d: {  	[tilespmem:s29], [sflag:$0x2] =	stream.indirect.gather [hbm4b:s5+s25], $0x40, s18, s25, $0xb8;
	[tilespmem:$0x19C80] =	vst v63  }
0x6e: {  	s20 =	simm.s32 $0xC680  }
0x6f: {  	[tilespmem:s31], [sflag:$0x3] =	stream.indirect.gather [hbm4b:s5+s25], $0x40, s20, s25, $0xb8;
	[tilespmem:$0x19C80] =	vst v63  }
0x70: {  	_ =	swait.ge [sflag:s0], $0x2000  }
0x71: {  	[sflag:s0] =	ssyncset.done $0x0  }
0x72: {  	s18 =	simm.s32 $0xED00;
	[sflag:s0] =	ssyncadd.s32 $0xFFFFE000  }
0x73: {  	[spmem:s3] =	stream.indirect.scatter.add.bf16 [tilespmem:s26], [sflag:$0x5], $0x40, s18, s25, $0xb8;
	[tilespmem:$0x19C80] =	vst v63  }
0x74: {  	_ = 	snop  }
0x75: {  	[spmem:s2] =	stream.indirect.scatter.add.f32 [tilespmem:s24], [sflag:$0x5], $0x10, s18, s25, $0xb8;
	[tilespmem:$0x19C80] =	vst v63  }
0x76: {  	s21 =	simm.s32 $0xC700  }
0x77: {  	[tilespmem:s28], [sflag:$0x4] =	stream.indirect.gather [hbm4b:s5+s25], $0x40, s21, s25, $0xb8;
	[tilespmem:$0x19C80] =	vst v63  }
0x78: {  	_ =	swait.ge [sflag:s15], $0x2000  }
0x79: {  	[sflag:s15] =	ssyncset.done $0x0  }
0x7a: {  	s23 =	simm.s32 $0xED80;
	[sflag:s15] =	ssyncadd.s32 $0xFFFFE000  }
0x7b: {  	[spmem:s3] =	stream.indirect.scatter.add.bf16 [tilespmem:s29], [sflag:$0x6], $0x40, s23, s25, $0xb8;
	[tilespmem:$0x19C80] =	vst v63  }
0x7c: {  	_ =	swait.ge [sflag:s16], $0x2000  }
0x7d: {  	[sflag:s16] =	ssyncset.done $0x0  }
0x7e: {  	[sflag:s16] =	ssyncadd.s32 $0xFFFFE000  }
0x7f: {  	_ =	swait.ge [sflag:s16], $0x800  }
0x80: {  	[sflag:s16] =	ssyncset.done $0x0  }
0x81: {  	s14 =	simm.s32 $0xC780;
	[sflag:s16] =	ssyncadd.s32 $0xFFFFF800  }
0x82: {  	[tilespmem:s26], [sflag:$0x1] =	stream.indirect.gather [hbm4b:s5+s25], $0x40, s14, s25, $0xb8;
	[tilespmem:$0x19C80] =	vst v63  }
0x83: {  	_ =	swait.ge [sflag:s13], $0x2000  }
0x84: {  	[sflag:s13] =	ssyncset.done $0x0  }
0x85: {  	s20 =	simm.s32 $0xEE00;
	[sflag:s13] =	ssyncadd.s32 $0xFFFFE000  }
0x86: {  	[spmem:s3] =	stream.indirect.scatter.add.bf16 [tilespmem:s31], [sflag:$0x7], $0x40, s20, s25, $0xb8;
	[tilespmem:$0x19C80] =	vst v63  }
0x87: {  	_ = 	snop  }
0x88: {  	[spmem:s2] =	stream.indirect.scatter.add.f32 [tilespmem:s24], [sflag:$0x7], $0x10, s20, s25, $0xb8;
	[tilespmem:$0x19C80] =	vst v63  }
0x89: {  	_ =	swait.ge [sflag:s1], $0x2000  }
0x8a: {  	[sflag:s1] =	ssyncset.done $0x0  }
0x8b: {  	s21 =	simm.s32 $0xC800;
	[sflag:s1] =	ssyncadd.s32 $0xFFFFE000  }
0x8c: {  	[tilespmem:s29], [sflag:$0x2] =	stream.indirect.gather [hbm4b:s5+s25], $0x40, s21, s25, $0xb8;
	[tilespmem:$0x19C80] =	vst v63  }
0x8d: {  	_ =	swait.ge [sflag:s30], $0x2000  }
0x8e: {  	[sflag:s30] =	ssyncset.done $0x0  }
0x8f: {  	s23 =	simm.s32 $0xEE80;
	[sflag:s30] =	ssyncadd.s32 $0xFFFFE000  }
0x90: {  	[spmem:s3] =	stream.indirect.scatter.add.bf16 [tilespmem:s28], [sflag:$0x8], $0x40, s23, s25, $0xb8;
	[tilespmem:$0x19C80] =	vst v63  }
0x91: {  	_ =	swait.ge [sflag:s17], $0x2000  }
0x92: {  	[sflag:s17] =	ssyncset.done $0x0  }
0x93: {  	[sflag:s17] =	ssyncadd.s32 $0xFFFFE000  }
0x94: {  	_ =	swait.ge [sflag:s17], $0x800  }
0x95: {  	[sflag:s17] =	ssyncset.done $0x0  }
0x96: {  	s14 =	simm.s32 $0xC880;
	[sflag:s17] =	ssyncadd.s32 $0xFFFFF800  }
0x97: {  	[tilespmem:s31], [sflag:$0x3] =	stream.indirect.gather [hbm4b:s5+s25], $0x40, s14, s25, $0xb8;
	[tilespmem:$0x19C80] =	vst v63  }
0x98: {  	_ =	swait.ge [sflag:s0], $0x2000  }
0x99: {  	[sflag:s0] =	ssyncset.done $0x0  }
0x9a: {  	s20 =	simm.s32 $0xEF00;
	[sflag:s0] =	ssyncadd.s32 $0xFFFFE000  }
0x9b: {  	[spmem:s3] =	stream.indirect.scatter.add.bf16 [tilespmem:s26], [sflag:$0x5], $0x40, s20, s25, $0xb8;
	[tilespmem:$0x19C80] =	vst v63  }
0x9c: {  	_ = 	snop  }
0x9d: {  	[spmem:s2] =	stream.indirect.scatter.add.f32 [tilespmem:s24], [sflag:$0x5], $0x10, s20, s25, $0xb8;
	[tilespmem:$0x19C80] =	vst v63  }
0x9e: {  	_ =	swait.ge [sflag:s7], $0x2000  }
0x9f: {  	[sflag:s7] =	ssyncset.done $0x0  }
0xa0: {  	s21 =	simm.s32 $0xC900;
	[sflag:s7] =	ssyncadd.s32 $0xFFFFE000  }
0xa1: {  	[tilespmem:s28], [sflag:$0x4] =	stream.indirect.gather [hbm4b:s5+s25], $0x40, s21, s25, $0xb8;
	[tilespmem:$0x19C80] =	vst v63  }
0xa2: {  	_ =	swait.ge [sflag:s15], $0x2000  }
0xa3: {  	[sflag:s15] =	ssyncset.done $0x0  }
0xa4: {  	s23 =	simm.s32 $0xEF80;
	[sflag:s15] =	ssyncadd.s32 $0xFFFFE000  }
0xa5: {  	[spmem:s3] =	stream.indirect.scatter.add.bf16 [tilespmem:s29], [sflag:$0x6], $0x40, s23, s25, $0xb8;
	[tilespmem:$0x19C80] =	vst v63  }
0xa6: {  	_ =	swait.ge [sflag:s16], $0x2000  }
0xa7: {  	[sflag:s16] =	ssyncset.done $0x0  }
0xa8: {  	[sflag:s16] =	ssyncadd.s32 $0xFFFFE000  }
0xa9: {  	_ =	swait.ge [sflag:s16], $0x800  }
0xaa: {  	[sflag:s16] =	ssyncset.done $0x0  }
0xab: {  	s14 =	simm.s32 $0xC980;
	[sflag:s16] =	ssyncadd.s32 $0xFFFFF800  }
0xac: {  	[tilespmem:s26], [sflag:$0x1] =	stream.indirect.gather [hbm4b:s5+s25], $0x40, s14, s25, $0xb8;
	[tilespmem:$0x19C80] =	vst v63  }
0xad: {  	_ =	swait.ge [sflag:s13], $0x2000  }
0xae: {  	[sflag:s13] =	ssyncset.done $0x0  }
0xaf: {  	s20 =	simm.s32 $0xF000;
	[sflag:s13] =	ssyncadd.s32 $0xFFFFE000  }
0xb0: {  	[spmem:s3] =	stream.indirect.scatter.add.bf16 [tilespmem:s31], [sflag:$0x7], $0x40, s20, s25, $0xb8;
	[tilespmem:$0x19C80] =	vst v63  }
0xb1: {  	_ = 	snop  }
0xb2: {  	[spmem:s2] =	stream.indirect.scatter.add.f32 [tilespmem:s24], [sflag:$0x7], $0x10, s20, s25, $0xb8;
	[tilespmem:$0x19C80] =	vst v63  }
0xb3: {  	_ =	swait.ge [sflag:s1], $0x2000  }
0xb4: {  	[sflag:s1] =	ssyncset.done $0x0  }
0xb5: {  	s21 =	simm.s32 $0xCA00;
	[sflag:s1] =	ssyncadd.s32 $0xFFFFE000  }
0xb6: {  	[tilespmem:s29], [sflag:$0x2] =	stream.indirect.gather [hbm4b:s5+s25], $0x40, s21, s25, $0xb8;
	[tilespmem:$0x19C80] =	vst v63  }
0xb7: {  	_ =	swait.ge [sflag:s30], $0x2000  }
0xb8: {  	[sflag:s30] =	ssyncset.done $0x0  }
0xb9: {  	s23 =	simm.s32 $0xF080;
	[sflag:s30] =	ssyncadd.s32 $0xFFFFE000  }
0xba: {  	[spmem:s3] =	stream.indirect.scatter.add.bf16 [tilespmem:s28], [sflag:$0x8], $0x40, s23, s25, $0xb8;
	[tilespmem:$0x19C80] =	vst v63  }
0xbb: {  	_ =	swait.ge [sflag:s17], $0x2000  }
0xbc: {  	[sflag:s17] =	ssyncset.done $0x0  }
0xbd: {  	[sflag:s17] =	ssyncadd.s32 $0xFFFFE000  }
0xbe: {  	_ =	swait.ge [sflag:s17], $0x800  }
0xbf: {  	[sflag:s17] =	ssyncset.done $0x0  }
0xc0: {  	s11 =	simm.s32 $0x800;
	s14 =	simm.s32 $0xCA80;
	[sflag:s17] =	ssyncadd.s32 $0xFFFFF800  }
.LBB2_3:
0xc1: {  	[tilespmem:s31], [sflag:$0x3] =	stream.indirect.gather [hbm4b:s5+s25], $0x40, s14, s25, $0xb8;
	[tilespmem:$0x19C80] =	vst v63  }
0xc2: {  	s14 =	smov.u32 s11  }
0xc3: {  	p2 =	sne.s32 s11, $0x8800;
	s11 =	sadd.s32 $0x800, s11;
	_ =	swait.ge [sflag:s0], $0x2000  }
0xc4: {  	s14 =	sshra.s32 s14, $0x2;
	[sflag:s0] =	ssyncset.done $0x0  }
0xc5: {  	s21 =	sadd.s32 $0xEF00, s14;
	[sflag:s0] =	ssyncadd.s32 $0xFFFFE000  }
0xc6: {  	[spmem:s3] =	stream.indirect.scatter.add.bf16 [tilespmem:s26], [sflag:$0x5], $0x40, s21, s25, $0xb8;
	[tilespmem:$0x19C80] =	vst v63  }
0xc7: {  	_ = 	snop  }
0xc8: {  	[spmem:s2] =	stream.indirect.scatter.add.f32 [tilespmem:s24], [sflag:$0x5], $0x10, s21, s25, $0xb8;
	[tilespmem:$0x19C80] =	vst v63  }
0xc9: {  	_ =	swait.ge [sflag:s7], $0x2000  }
0xca: {  	[sflag:s7] =	ssyncset.done $0x0  }
0xcb: {  	s21 =	sadd.s32 $0xC900, s14;
	[sflag:s7] =	ssyncadd.s32 $0xFFFFE000  }
0xcc: {  	[tilespmem:s28], [sflag:$0x4] =	stream.indirect.gather [hbm4b:s5+s25], $0x40, s21, s25, $0xb8;
	[tilespmem:$0x19C80] =	vst v63  }
0xcd: {  	_ =	swait.ge [sflag:s15], $0x2000  }
0xce: {  	[sflag:s15] =	ssyncset.done $0x0  }
0xcf: {  	s21 =	sadd.s32 $0xEF80, s14;
	[sflag:s15] =	ssyncadd.s32 $0xFFFFE000  }
0xd0: {  	[spmem:s3] =	stream.indirect.scatter.add.bf16 [tilespmem:s29], [sflag:$0x6], $0x40, s21, s25, $0xb8;
	[tilespmem:$0x19C80] =	vst v63  }
0xd1: {  	_ =	swait.ge [sflag:s16], $0x2000  }
0xd2: {  	[sflag:s16] =	ssyncset.done $0x0  }
0xd3: {  	[sflag:s16] =	ssyncadd.s32 $0xFFFFE000  }
0xd4: {  	_ =	swait.ge [sflag:s16], $0x800  }
0xd5: {  	[sflag:s16] =	ssyncset.done $0x0  }
0xd6: {  	s21 =	sadd.s32 $0xC980, s14;
	[sflag:s16] =	ssyncadd.s32 $0xFFFFF800  }
0xd7: {  	[tilespmem:s26], [sflag:$0x1] =	stream.indirect.gather [hbm4b:s5+s25], $0x40, s21, s25, $0xb8;
	[tilespmem:$0x19C80] =	vst v63  }
0xd8: {  	_ =	swait.ge [sflag:s13], $0x2000  }
0xd9: {  	[sflag:s13] =	ssyncset.done $0x0  }
0xda: {  	s21 =	sadd.s32 $0xF000, s14;
	[sflag:s13] =	ssyncadd.s32 $0xFFFFE000  }
0xdb: {  	[spmem:s3] =	stream.indirect.scatter.add.bf16 [tilespmem:s31], [sflag:$0x7], $0x40, s21, s25, $0xb8;
	[tilespmem:$0x19C80] =	vst v63  }
0xdc: {  	_ = 	snop  }
0xdd: {  	[spmem:s2] =	stream.indirect.scatter.add.f32 [tilespmem:s24], [sflag:$0x7], $0x10, s21, s25, $0xb8;
	[tilespmem:$0x19C80] =	vst v63  }
0xde: {  	_ =	swait.ge [sflag:s1], $0x2000  }
0xdf: {  	[sflag:s1] =	ssyncset.done $0x0  }
0xe0: {  	s21 =	sadd.s32 $0xCA00, s14;
	[sflag:s1] =	ssyncadd.s32 $0xFFFFE000  }
0xe1: {  	[tilespmem:s29], [sflag:$0x2] =	stream.indirect.gather [hbm4b:s5+s25], $0x40, s21, s25, $0xb8;
	[tilespmem:$0x19C80] =	vst v63  }
0xe2: {  	_ =	swait.ge [sflag:s30], $0x2000  }
0xe3: {  	[sflag:s30] =	ssyncset.done $0x0  }
0xe4: {  	s21 =	sadd.s32 $0xF080, s14;
	[sflag:s30] =	ssyncadd.s32 $0xFFFFE000  }
0xe5: {  	[spmem:s3] =	stream.indirect.scatter.add.bf16 [tilespmem:s28], [sflag:$0x8], $0x40, s21, s25, $0xb8;
	[tilespmem:$0x19C80] =	vst v63  }
0xe6: {  	_ =	swait.ge [sflag:s17], $0x2000  }
.Ltmp3:
0xe7: {  	[sflag:s17] =	ssyncset.done $0x0;
	(pc) =	sbr.rel @p2 .LBB2_3-.Ltmp3, $4  }
0xe8: {  	[sflag:s17] =	ssyncadd.s32 $0xFFFFE000  }
0xe9: {  	_ =	swait.ge [sflag:s17], $0x800  }
0xea: {  	[sflag:s17] =	ssyncset.done $0x0  }
0xeb: {  	s14 =	sadd.s32 $0xCA80, s14;
	[sflag:s17] =	ssyncadd.s32 $0xFFFFF800  }
0xec: {  	[tilespmem:s31], [sflag:$0x3] =	stream.indirect.gather [hbm4b:s5+s25], $0x40, s14, s25, $0xb8;
	[tilespmem:$0x19C80] =	vst v63  }
0xed: {  	_ =	swait.ge [sflag:s0], $0x2000  }
0xee: {  	[sflag:s0] =	ssyncset.done $0x0  }
0xef: {  	s11 =	simm.s32 $0x11300;
	[sflag:s0] =	ssyncadd.s32 $0xFFFFE000  }
0xf0: {  	[spmem:s3] =	stream.indirect.scatter.add.bf16 [tilespmem:s26], [sflag:$0x5], $0x40, s11, s25, $0xb8;
	[tilespmem:$0x19C80] =	vst v63  }
0xf1: {  	_ = 	snop  }
0xf2: {  	[spmem:s2] =	stream.indirect.scatter.add.f32 [tilespmem:s24], [sflag:$0x5], $0x10, s11, s25, $0xb8;
	[tilespmem:$0x19C80] =	vst v63  }
0xf3: {  	_ =	swait.ge [sflag:s15], $0x2000  }
0xf4: {  	[sflag:s15] =	ssyncset.done $0x0  }
0xf5: {  	[sflag:s15] =	ssyncadd.s32 $0xFFFFE000  }
0xf6: {  	[spmem:s3] =	stream.indirect.scatter.add.bf16 [tilespmem:s29], [sflag:$0x6], $0x40, s19, s25, $0xb8;
	[tilespmem:$0x19C80] =	vst v63  }
0xf7: {  	_ =	swait.ge [sflag:s13], $0x2000  }
0xf8: {  	[sflag:s13] =	ssyncset.done $0x0  }
0xf9: {  	s21 =	simm.s32 $0x11400;
	[sflag:s13] =	ssyncadd.s32 $0xFFFFE000  }
0xfa: {  	[spmem:s3] =	stream.indirect.scatter.add.bf16 [tilespmem:s31], [sflag:$0x7], $0x40, s21, s25, $0xb8;
	[tilespmem:$0x19C80] =	vst v63  }
0xfb: {  	_ = 	snop  }
0xfc: {  	[spmem:s2] =	stream.indirect.scatter.add.f32 [tilespmem:s24], [sflag:$0x7], $0x10, s21, s25, $0xb8;
	[tilespmem:$0x19C80] =	vst v63  }
0xfd: {  	_ =	swait.ge [sflag:s7], $0x2000  }
0xfe: {  	[sflag:s7] =	ssyncset.done $0x0  }
0xff: {  	[sflag:s7] =	ssyncadd.s32 $0xFFFFE000  }
0x100: {  	_ =	swait.ge [sflag:s16], $0x2000  }
0x101: {  	[sflag:s16] =	ssyncset.done $0x0  }
0x102: {  	[sflag:s16] =	ssyncadd.s32 $0xFFFFE000  }
0x103: {  	_ =	swait.ge [sflag:s16], $0x800  }
0x104: {  	[sflag:s16] =	ssyncset.done $0x0  }
0x105: {  	[sflag:s16] =	ssyncadd.s32 $0xFFFFF800  }
0x106: {  	_ =	swait.ge [sflag:s1], $0x2000  }
0x107: {  	[sflag:s1] =	ssyncset.done $0x0  }
0x108: {  	[sflag:s1] =	ssyncadd.s32 $0xFFFFE000  }
0x109: {  	_ =	swait.ge [sflag:s17], $0x2000  }
.Ltmp4:
0x10a: {  	[sflag:s17] =	ssyncset.done $0x0;
	(pc) =	sbr.rel .LBB2_8-.Ltmp4, $4  }
0x10b: {  	[sflag:s17] =	ssyncadd.s32 $0xFFFFE000  }
0x10c: {  	_ =	swait.ge [sflag:s17], $0x800  }
0x10d: {  	[sflag:s17] =	ssyncset.done $0x0  }
0x10e: {  	s20 =	simm.s32 $0x11300;
	s23 =	simm.s32 $0x11400;
	[sflag:s17] =	ssyncadd.s32 $0xFFFFF800  }
.LBB2_5:
0x10f: {  	s21 =	rddreg [dreg:$0xc]  }
0x110: {  	[spmem:s14], [sflag:s9] =	dma.local @p1 [hbm:s21], $0x1040  }
0x111: {  	s14 =	simm.s32 @p1 $0x9  }
0x112: {  	_ =	swait.ge @p1 [sflag:s14], $0x1040  }
0x113: {  	[sflag:s14] =	ssyncset.done @p1 $0x0  }
0x114: {  	[sflag:s14] =	ssyncadd.s32 @p1 $0xFFFFEFC0;
	s14 =	rddreg [dreg:$0xa]  }
0x115: {  	[spmem:s11], [sflag:s9] =	dma.local @!p1 [hbm:s14], $0x13C0  }
0x116: {  	s11 =	simm.s32 @!p1 $0x9  }
0x117: {  	_ =	swait.ge @!p1 [sflag:s11], $0x13C0  }
0x118: {  	[sflag:s11] =	ssyncset.done @!p1 $0x0  }
0x119: {  	[sflag:s11] =	ssyncadd.s32 @!p1 $0xFFFFEC40  }
0x11a: {  	[bflag:$0x0] =	sbarrier.arrive $0xFFFF  }
0x11b: {  	[tilespmem:s26], [sflag:$0x1] =	stream.indirect.gather [hbm4b:s6+s25], $0x40, s18, s25, $0xb8;
	[tilespmem:$0x19C80] =	vst v63  }
0x11c: {  	s19 =	simm.s32 $0xC600  }
0x11d: {  	[tilespmem:s29], [sflag:$0x2] =	stream.indirect.gather [hbm4b:s6+s25], $0x40, s19, s25, $0xb8;
	[tilespmem:$0x19C80] =	vst v63  }
0x11e: {  	s21 =	simm.s32 $0xC680  }
0x11f: {  	[tilespmem:s31], [sflag:$0x3] =	stream.indirect.gather [hbm4b:s6+s25], $0x40, s21, s25, $0xb8;
	[tilespmem:$0x19C80] =	vst v63  }
0x120: {  	_ =	swait.ge [sflag:s0], $0x2000  }
0x121: {  	[sflag:s0] =	ssyncset.done $0x0  }
0x122: {  	[sflag:s0] =	ssyncadd.s32 $0xFFFFE000  }
0x123: {  	[spmem:s3] =	stream.indirect.scatter.add.bf16 [tilespmem:s26], [sflag:$0x5], $0x40, s4, s25, $0xb8;
	[tilespmem:$0x19C80] =	vst v63  }
0x124: {  	s14 =	simm.s32 $0xC700  }
0x125: {  	[tilespmem:s28], [sflag:$0x4] =	stream.indirect.gather [hbm4b:s6+s25], $0x40, s14, s25, $0xb8;
	[tilespmem:$0x19C80] =	vst v63  }
0x126: {  	_ =	swait.ge [sflag:s15], $0x2000  }
0x127: {  	[sflag:s15] =	ssyncset.done $0x0  }
0x128: {  	s18 =	simm.s32 $0xED80;
	[sflag:s15] =	ssyncadd.s32 $0xFFFFE000  }
0x129: {  	[spmem:s3] =	stream.indirect.scatter.add.bf16 [tilespmem:s29], [sflag:$0x6], $0x40, s18, s25, $0xb8;
	[tilespmem:$0x19C80] =	vst v63  }
0x12a: {  	_ = 	snop  }
0x12b: {  	[spmem:s2] =	stream.indirect.scatter.add.f32 [tilespmem:s24], [sflag:$0x6], $0x10, s18, s25, $0xb8;
	[tilespmem:$0x19C80] =	vst v63  }
0x12c: {  	_ =	swait.ge [sflag:s16], $0x2000  }
0x12d: {  	[sflag:s16] =	ssyncset.done $0x0  }
0x12e: {  	s19 =	simm.s32 $0xC780;
	[sflag:s16] =	ssyncadd.s32 $0xFFFFE000  }
0x12f: {  	[tilespmem:s26], [sflag:$0x1] =	stream.indirect.gather [hbm4b:s6+s25], $0x40, s19, s25, $0xb8;
	[tilespmem:$0x19C80] =	vst v63  }
0x130: {  	_ =	swait.ge [sflag:s13], $0x2000  }
0x131: {  	[sflag:s13] =	ssyncset.done $0x0  }
0x132: {  	s21 =	simm.s32 $0xEE00;
	[sflag:s13] =	ssyncadd.s32 $0xFFFFE000  }
0x133: {  	[spmem:s3] =	stream.indirect.scatter.add.bf16 [tilespmem:s31], [sflag:$0x7], $0x40, s21, s25, $0xb8;
	[tilespmem:$0x19C80] =	vst v63  }
0x134: {  	_ =	swait.ge [sflag:s1], $0x2000  }
0x135: {  	[sflag:s1] =	ssyncset.done $0x0  }
0x136: {  	[sflag:s1] =	ssyncadd.s32 $0xFFFFE000  }
0x137: {  	_ =	swait.ge [sflag:s1], $0x800  }
0x138: {  	[sflag:s1] =	ssyncset.done $0x0  }
0x139: {  	s14 =	simm.s32 $0xC800;
	[sflag:s1] =	ssyncadd.s32 $0xFFFFF800  }
0x13a: {  	[tilespmem:s29], [sflag:$0x2] =	stream.indirect.gather [hbm4b:s6+s25], $0x40, s14, s25, $0xb8;
	[tilespmem:$0x19C80] =	vst v63  }
0x13b: {  	_ =	swait.ge [sflag:s30], $0x2000  }
0x13c: {  	[sflag:s30] =	ssyncset.done $0x0  }
0x13d: {  	s18 =	simm.s32 $0xEE80;
	[sflag:s30] =	ssyncadd.s32 $0xFFFFE000  }
0x13e: {  	[spmem:s3] =	stream.indirect.scatter.add.bf16 [tilespmem:s28], [sflag:$0x8], $0x40, s18, s25, $0xb8;
	[tilespmem:$0x19C80] =	vst v63  }
0x13f: {  	_ = 	snop  }
0x140: {  	[spmem:s2] =	stream.indirect.scatter.add.f32 [tilespmem:s24], [sflag:$0x8], $0x10, s18, s25, $0xb8;
	[tilespmem:$0x19C80] =	vst v63  }
0x141: {  	_ =	swait.ge [sflag:s17], $0x2000  }
0x142: {  	[sflag:s17] =	ssyncset.done $0x0  }
0x143: {  	s19 =	simm.s32 $0xC880;
	[sflag:s17] =	ssyncadd.s32 $0xFFFFE000  }
0x144: {  	[tilespmem:s31], [sflag:$0x3] =	stream.indirect.gather [hbm4b:s6+s25], $0x40, s19, s25, $0xb8;
	[tilespmem:$0x19C80] =	vst v63  }
0x145: {  	_ =	swait.ge [sflag:s0], $0x2000  }
0x146: {  	[sflag:s0] =	ssyncset.done $0x0  }
0x147: {  	s21 =	simm.s32 $0xEF00;
	[sflag:s0] =	ssyncadd.s32 $0xFFFFE000  }
0x148: {  	[spmem:s3] =	stream.indirect.scatter.add.bf16 [tilespmem:s26], [sflag:$0x5], $0x40, s21, s25, $0xb8;
	[tilespmem:$0x19C80] =	vst v63  }
0x149: {  	_ =	swait.ge [sflag:s7], $0x2000  }
0x14a: {  	[sflag:s7] =	ssyncset.done $0x0  }
0x14b: {  	[sflag:s7] =	ssyncadd.s32 $0xFFFFE000  }
0x14c: {  	_ =	swait.ge [sflag:s7], $0x800  }
0x14d: {  	[sflag:s7] =	ssyncset.done $0x0  }
0x14e: {  	s14 =	simm.s32 $0xC900;
	[sflag:s7] =	ssyncadd.s32 $0xFFFFF800  }
0x14f: {  	[tilespmem:s28], [sflag:$0x4] =	stream.indirect.gather [hbm4b:s6+s25], $0x40, s14, s25, $0xb8;
	[tilespmem:$0x19C80] =	vst v63  }
0x150: {  	_ =	swait.ge [sflag:s15], $0x2000  }
0x151: {  	[sflag:s15] =	ssyncset.done $0x0  }
0x152: {  	s19 =	simm.s32 $0xEF80;
	[sflag:s15] =	ssyncadd.s32 $0xFFFFE000  }
0x153: {  	[spmem:s3] =	stream.indirect.scatter.add.bf16 [tilespmem:s29], [sflag:$0x6], $0x40, s19, s25, $0xb8;
	[tilespmem:$0x19C80] =	vst v63  }
0x154: {  	_ = 	snop  }
0x155: {  	[spmem:s2] =	stream.indirect.scatter.add.f32 [tilespmem:s24], [sflag:$0x6], $0x10, s19, s25, $0xb8;
	[tilespmem:$0x19C80] =	vst v63  }
0x156: {  	_ =	swait.ge [sflag:s16], $0x2000  }
0x157: {  	[sflag:s16] =	ssyncset.done $0x0  }
0x158: {  	s21 =	simm.s32 $0xC980;
	[sflag:s16] =	ssyncadd.s32 $0xFFFFE000  }
0x159: {  	[tilespmem:s26], [sflag:$0x1] =	stream.indirect.gather [hbm4b:s6+s25], $0x40, s21, s25, $0xb8;
	[tilespmem:$0x19C80] =	vst v63  }
0x15a: {  	_ =	swait.ge [sflag:s13], $0x2000  }
0x15b: {  	[sflag:s13] =	ssyncset.done $0x0  }
0x15c: {  	s14 =	simm.s32 $0xF000;
	[sflag:s13] =	ssyncadd.s32 $0xFFFFE000  }
0x15d: {  	[spmem:s3] =	stream.indirect.scatter.add.bf16 [tilespmem:s31], [sflag:$0x7], $0x40, s14, s25, $0xb8;
	[tilespmem:$0x19C80] =	vst v63  }
0x15e: {  	_ =	swait.ge [sflag:s1], $0x2000  }
0x15f: {  	[sflag:s1] =	ssyncset.done $0x0  }
0x160: {  	[sflag:s1] =	ssyncadd.s32 $0xFFFFE000  }
0x161: {  	_ =	swait.ge [sflag:s1], $0x800  }
0x162: {  	[sflag:s1] =	ssyncset.done $0x0  }
0x163: {  	s19 =	simm.s32 $0xCA00;
	[sflag:s1] =	ssyncadd.s32 $0xFFFFF800  }
0x164: {  	[tilespmem:s29], [sflag:$0x2] =	stream.indirect.gather [hbm4b:s6+s25], $0x40, s19, s25, $0xb8;
	[tilespmem:$0x19C80] =	vst v63  }
0x165: {  	_ =	swait.ge [sflag:s30], $0x2000  }
0x166: {  	[sflag:s30] =	ssyncset.done $0x0  }
0x167: {  	s21 =	simm.s32 $0xF080;
	[sflag:s30] =	ssyncadd.s32 $0xFFFFE000  }
0x168: {  	[spmem:s3] =	stream.indirect.scatter.add.bf16 [tilespmem:s28], [sflag:$0x8], $0x40, s21, s25, $0xb8;
	[tilespmem:$0x19C80] =	vst v63  }
0x169: {  	_ = 	snop  }
0x16a: {  	[spmem:s2] =	stream.indirect.scatter.add.f32 [tilespmem:s24], [sflag:$0x8], $0x10, s21, s25, $0xb8;
	[tilespmem:$0x19C80] =	vst v63  }
0x16b: {  	_ =	swait.ge [sflag:s17], $0x2000  }
0x16c: {  	s11 =	simm.s32 $0x800;
	[sflag:s17] =	ssyncset.done $0x0  }
0x16d: {  	s18 =	simm.s32 $0xED00;
	s14 =	simm.s32 $0xCA80;
	[sflag:s17] =	ssyncadd.s32 $0xFFFFE000  }
.LBB2_6:
0x16e: {  	[tilespmem:s31], [sflag:$0x3] =	stream.indirect.gather [hbm4b:s6+s25], $0x40, s14, s25, $0xb8;
	[tilespmem:$0x19C80] =	vst v63  }
0x16f: {  	s14 =	smov.u32 s11  }
0x170: {  	p2 =	sne.s32 s11, $0x8800;
	s11 =	sadd.s32 $0x800, s11;
	_ =	swait.ge [sflag:s0], $0x2000  }
0x171: {  	s14 =	sshra.s32 s14, $0x2;
	[sflag:s0] =	ssyncset.done $0x0  }
0x172: {  	s21 =	sadd.s32 $0xEF00, s14;
	[sflag:s0] =	ssyncadd.s32 $0xFFFFE000  }
0x173: {  	[spmem:s3] =	stream.indirect.scatter.add.bf16 [tilespmem:s26], [sflag:$0x5], $0x40, s21, s25, $0xb8;
	[tilespmem:$0x19C80] =	vst v63  }
0x174: {  	_ =	swait.ge [sflag:s7], $0x2000  }
0x175: {  	[sflag:s7] =	ssyncset.done $0x0  }
0x176: {  	[sflag:s7] =	ssyncadd.s32 $0xFFFFE000  }
0x177: {  	_ =	swait.ge [sflag:s7], $0x800  }
0x178: {  	[sflag:s7] =	ssyncset.done $0x0  }
0x179: {  	s21 =	sadd.s32 $0xC900, s14;
	[sflag:s7] =	ssyncadd.s32 $0xFFFFF800  }
0x17a: {  	[tilespmem:s28], [sflag:$0x4] =	stream.indirect.gather [hbm4b:s6+s25], $0x40, s21, s25, $0xb8;
	[tilespmem:$0x19C80] =	vst v63  }
0x17b: {  	_ =	swait.ge [sflag:s15], $0x2000  }
0x17c: {  	[sflag:s15] =	ssyncset.done $0x0  }
0x17d: {  	s21 =	sadd.s32 $0xEF80, s14;
	[sflag:s15] =	ssyncadd.s32 $0xFFFFE000  }
0x17e: {  	[spmem:s3] =	stream.indirect.scatter.add.bf16 [tilespmem:s29], [sflag:$0x6], $0x40, s21, s25, $0xb8;
	[tilespmem:$0x19C80] =	vst v63  }
0x17f: {  	_ = 	snop  }
0x180: {  	[spmem:s2] =	stream.indirect.scatter.add.f32 [tilespmem:s24], [sflag:$0x6], $0x10, s21, s25, $0xb8;
	[tilespmem:$0x19C80] =	vst v63  }
0x181: {  	_ =	swait.ge [sflag:s16], $0x2000  }
0x182: {  	[sflag:s16] =	ssyncset.done $0x0  }
0x183: {  	s21 =	sadd.s32 $0xC980, s14;
	[sflag:s16] =	ssyncadd.s32 $0xFFFFE000  }
0x184: {  	[tilespmem:s26], [sflag:$0x1] =	stream.indirect.gather [hbm4b:s6+s25], $0x40, s21, s25, $0xb8;
	[tilespmem:$0x19C80] =	vst v63  }
0x185: {  	_ =	swait.ge [sflag:s13], $0x2000  }
0x186: {  	[sflag:s13] =	ssyncset.done $0x0  }
0x187: {  	s21 =	sadd.s32 $0xF000, s14;
	[sflag:s13] =	ssyncadd.s32 $0xFFFFE000  }
0x188: {  	[spmem:s3] =	stream.indirect.scatter.add.bf16 [tilespmem:s31], [sflag:$0x7], $0x40, s21, s25, $0xb8;
	[tilespmem:$0x19C80] =	vst v63  }
0x189: {  	_ =	swait.ge [sflag:s1], $0x2000  }
0x18a: {  	[sflag:s1] =	ssyncset.done $0x0  }
0x18b: {  	[sflag:s1] =	ssyncadd.s32 $0xFFFFE000  }
0x18c: {  	_ =	swait.ge [sflag:s1], $0x800  }
0x18d: {  	[sflag:s1] =	ssyncset.done $0x0  }
0x18e: {  	s21 =	sadd.s32 $0xCA00, s14;
	[sflag:s1] =	ssyncadd.s32 $0xFFFFF800  }
0x18f: {  	[tilespmem:s29], [sflag:$0x2] =	stream.indirect.gather [hbm4b:s6+s25], $0x40, s21, s25, $0xb8;
	[tilespmem:$0x19C80] =	vst v63  }
0x190: {  	_ =	swait.ge [sflag:s30], $0x2000  }
0x191: {  	[sflag:s30] =	ssyncset.done $0x0  }
0x192: {  	s21 =	sadd.s32 $0xF080, s14;
	[sflag:s30] =	ssyncadd.s32 $0xFFFFE000  }
0x193: {  	[spmem:s3] =	stream.indirect.scatter.add.bf16 [tilespmem:s28], [sflag:$0x8], $0x40, s21, s25, $0xb8;
	[tilespmem:$0x19C80] =	vst v63  }
.Ltmp5:
0x194: {  	(pc) =	sbr.rel @p2 .LBB2_6-.Ltmp5, $4  }
0x195: {  	[spmem:s2] =	stream.indirect.scatter.add.f32 [tilespmem:s24], [sflag:$0x8], $0x10, s21, s25, $0xb8;
	[tilespmem:$0x19C80] =	vst v63  }
0x196: {  	_ =	swait.ge [sflag:s17], $0x2000  }
0x197: {  	[sflag:s17] =	ssyncset.done $0x0  }
0x198: {  	s14 =	sadd.s32 $0xCA80, s14;
	[sflag:s17] =	ssyncadd.s32 $0xFFFFE000  }
.Ltmp6:
0x199: {  	_ = 	snop;
	(pc) =	sbr.rel .LBB2_7-.Ltmp6, $1  }
0x19a: {  	_ =	sdelay $0x3  }
.LBB2_9:
0x19b: {  	_ =	sfence.sel $0x180000  }
0x19c: {  	[bflag:$0x0] =	sbarrier.arrive $0xFFFF  }
0x19d: {  	_ =	strace $0x90000047  }
0x19e: {  	s0 =	stileid.u32;
	[bflag:$0x2] =	sbarrier.arrive $0xFFFF  }
0x19f: {  	p0 =	sne.s32 s0, $0x0;
	s0 =	rddreg [dreg:$0x4]  }
0x1a0: {  	s0 =	sadd.s32 @!p0 $0x100000, s0  }
0x1a1: {  	[sflag:s0] =	ssyncadd.tile.s32 @!p0 $0x1;
	_ =	shalt  }
.Lfunc_end2:
_tile_overlayer_lowered:
.L_overlay_start_2:
0x1a2: {  	(tag) =	ssettag $0x2  }
0x1a3: {  	s0 =	rddreg [dreg:$0x0];
	s2 =	stileid.u32  }
0x1a4: {  	s1 =	rddreg [dreg:$0x1];
	p0 =	sne.s32 s2, $0x0  }
0x1a5: {  	s3 =	rddreg [dreg:$0x2];
	[bflag:$0x3] =	sbarrier.arrive $0xFFFF;
	s2 =	simm.s32 @!p0 $0x1C09  }
0x1a6: {  	[timem:s3], [sflag:s2] =	dma.local @!p0 [hbm:s0], s1  }
0x1a7: {  	s0 =	simm.s32 @!p0 $0x9  }
0x1a8: {  	_ =	swait.ge @!p0 [sflag:s0], s1  }
0x1a9: {  	s1 =	ssub.s32 @!p0 $0x0, s1;
	[sflag:s0] =	ssyncset.done @!p0 $0x0  }
0x1aa: {  	[sflag:s0] =	ssyncadd.s32 @!p0 s1  }
0x1ab: {  	[bflag:$0x3] =	sbarrier.arrive $0xFFFF  }
0x1ac: {  	_ =	shalt  }

</sc_bundles>
